<compile_context>
chip_gen: v7x
topology: tpu7x:2x2x1
jax: 0.10.2.dev20260603
libtpu: 0.0.44.dev20260713+nightly
codegen_flags: <defaults>
</compile_context>

<pallas_src>
import functools
import jax
import jax.numpy as jnp
from jax import lax
from jax.experimental import pallas as pl
from jax.experimental.pallas import tpu as pltpu
from jax.experimental.pallas import tpu_sc as plsc

B, H, W = 1024, 30, 30
P = H * W
NV, DV, DP, D = 10, 64, 64, 128
WPAD = 32
NG = B * H
NP = NG * WPAD
NC, NS = 2, 16
NW = NC * NS
NPW = NP // NW
CH = 128
NCH = NPW // CH
NBUF = 3
NOUT = NCH // NBUF


def _sc_body(fused_hbm, g_hbm, poff_hbm, out_hbm, gvm, pvm, rb0, rb1, rb2,
             s0, s1, s2):
    rbufs = (rb0, rb1, rb2)
    sems = (s0, s1, s2)
    wid = lax.axis_index("s") * NC + lax.axis_index("c")
    pltpu.sync_copy(g_hbm.at[wid], gvm)
    pltpu.sync_copy(poff_hbm, pvm)

    def add_body(c, carry):
        for j in range(8):
            sl = pl.ds(j * 16, 16)
            gvm[c, sl] = gvm[c, sl] + pvm[c, sl]
        return carry
    lax.fori_loop(0, NCH, add_body, 0)

    def gather_start(c, b):
        pltpu.async_copy(fused_hbm.at[gvm.at[c]], rbufs[b], sems[b])

    def chunk_done(c, b):
        pltpu.make_async_copy(fused_hbm.at[gvm.at[c]], rbufs[b], sems[b]).wait()
        pltpu.sync_copy(rbufs[b], out_hbm.at[wid, pl.ds(c * CH, CH)])

    for b in range(NBUF):
        gather_start(b, b)

    def outer(o, carry):
        for b in range(NBUF):
            c = o * NBUF + b
            chunk_done(c, b)
            gather_start(c + NBUF, b)
        return carry
    lax.fori_loop(0, NOUT - 1, outer, 0)
    for b in range(NBUF):
        chunk_done((NOUT - 1) * NBUF + b, b)


_sc_call = functools.partial(
    pl.kernel,
    out_type=jax.ShapeDtypeStruct((NW, NPW, D), jnp.float32),
    mesh=plsc.VectorSubcoreMesh(core_axis_name="c", subcore_axis_name="s"),
    scratch_types=[
        pltpu.VMEM((NCH, CH), jnp.int32),
        pltpu.VMEM((NCH, CH), jnp.int32),
        pltpu.VMEM((CH, D), jnp.float32),
        pltpu.VMEM((CH, D), jnp.float32),
        pltpu.VMEM((CH, D), jnp.float32),
        pltpu.SemaphoreType.DMA,
        pltpu.SemaphoreType.DMA,
        pltpu.SemaphoreType.DMA,
    ],
)(_sc_body)


def _pad_groups(x):
    xp = jnp.pad(x.reshape(NG, W), ((0, 0), (0, WPAD - W)))
    return xp.reshape(NW, NCH, CH)


def kernel(grid, value_embed, pos_encoding):
    gflat = grid.astype(jnp.int32).reshape(B * P)
    g3 = _pad_groups(gflat)
    poff = _pad_groups((jnp.arange(B * P, dtype=jnp.int32) % P) * NV)[0]
    pos2 = pos_encoding.reshape(P, DP)
    fused = jnp.concatenate(
        [jnp.broadcast_to(value_embed[None], (P, NV, DV)),
         jnp.broadcast_to(pos2[:, None, :], (P, NV, DP))],
        axis=-1).reshape(P * NV, D)
    out = _sc_call(fused, g3, poff)
    return out.reshape(B, H, WPAD, D)[:, :, :W, :]

# --- scband reference (transcript-rebuilt; emitter-appended) ---
"""Pipeline reference for scband-spatial-embedding-34402688041033 (READ-ONLY COPY).

The authoritative reference and input builder live on the scoring server;
editing this copy changes nothing except your own understanding.
"""

import jax, jax.numpy as jnp
import numpy as np
import math

GRID_H, GRID_W = 30, 30
EMBED_DIM = 128
NUM_VALUES = 10
VALUE_DIM = EMBED_DIM // 2
POS_DIM = EMBED_DIM - VALUE_DIM
BATCH = 1024


def _create_position_encoding(h, w, pos_dim):
    row_dim = pos_dim // 2
    col_dim = pos_dim - row_dim
    row_pos = np.arange(h, dtype=np.float32)[:, None]
    col_pos = np.arange(w, dtype=np.float32)[:, None]
    row_div = np.exp(np.arange(0, row_dim, 2, dtype=np.float32) * (-math.log(10000.0) / row_dim))
    col_div = np.exp(np.arange(0, col_dim, 2, dtype=np.float32) * (-math.log(10000.0) / col_dim))
    row_enc = np.zeros((h, row_dim), dtype=np.float32)
    row_enc[:, 0::2] = np.sin(row_pos * row_div)
    if row_dim > 1:
        row_enc[:, 1::2] = np.cos(row_pos * row_div)
    col_enc = np.zeros((w, col_dim), dtype=np.float32)
    col_enc[:, 0::2] = np.sin(col_pos * col_div)
    if col_dim > 1:
        col_enc[:, 1::2] = np.cos(col_pos * col_div)
    row2d = np.broadcast_to(row_enc[:, None, :], (h, w, row_dim))
    col2d = np.broadcast_to(col_enc[None, :, :], (h, w, col_dim))
    return jnp.asarray(np.concatenate([row2d, col2d], axis=-1))


def setup_inputs(seed: int = 0) -> dict:
    key = jax.random.key(seed)
    k1, k2 = jax.random.split(key)
    grid = jax.random.randint(k1, (BATCH, GRID_H, GRID_W), 0, NUM_VALUES, dtype=jnp.int64 if jax.config.jax_enable_x64 else jnp.int32)
    value_embed = jax.random.normal(k2, (NUM_VALUES, VALUE_DIM), dtype=jnp.float32)
    pos_encoding = _create_position_encoding(GRID_H, GRID_W, POS_DIM)
    return {"grid": grid, "value_embed": value_embed, "pos_encoding": pos_encoding}


def reference(grid, value_embed, pos_encoding):
    b, h, w = grid.shape
    val_emb = jnp.take(value_embed, grid, axis=0)  # (B, H, W, value_dim)
    pos_emb = pos_encoding[:h, :w]
    pos_emb = jnp.broadcast_to(pos_emb[None, :, :, :], (b, h, w, pos_emb.shape[-1]))
    embedding = jnp.concatenate([val_emb, pos_emb], axis=-1)
    return embedding

if __name__ == "__main__":
    import jax
    _d = setup_inputs()
    print(jax.jit(kernel)(*tuple(_d.values())))

</pallas_src>

<mosaic_0001>
#map = affine_map<(d0, d1) -> (0, 0)>
#map1 = affine_map<(d0, d1) -> (0, 0, 0)>
module attributes {stable_mosaic.version = 14 : i64} {
  func.func @_sc_body(%arg0: i32, %arg1: i32, %arg2: memref<9000x128xf32, #tpu.memory_space<hbm>>, %arg3: memref<32x240x128xi32, #tpu.memory_space<hbm>>, %arg4: memref<240x128xi32, #tpu.memory_space<hbm>>, %arg5: memref<32x30720x128xf32, #tpu.memory_space<hbm>>, %arg6: memref<240x128xi32, #tpu.memory_space<vmem>>, %arg7: memref<240x128xi32, #tpu.memory_space<vmem>>, %arg8: memref<128x128xf32, #tpu.memory_space<vmem>>, %arg9: memref<128x128xf32, #tpu.memory_space<vmem>>, %arg10: memref<128x128xf32, #tpu.memory_space<vmem>>, %arg11: memref<!tpu.dma_semaphore, #tpu.memory_space<semaphore_mem>>, %arg12: memref<!tpu.dma_semaphore, #tpu.memory_space<semaphore_mem>>, %arg13: memref<!tpu.dma_semaphore, #tpu.memory_space<semaphore_mem>>) attributes {dimension_semantics = [#tpu.dimension_semantics<core_parallel>, #tpu.dimension_semantics<subcore_parallel>], iteration_bounds = array<i64: 2, 16>, scalar_prefetch = 0 : i64, scratch_operands = 8 : i64, tpu.core_type = #tpu.core_type<sc_vector_subcore>, window_params = [{transform_indices = #map}, {transform_indices = #map1}, {transform_indices = #map}, {transform_indices = #map1}]} {
    %mul3A = arith.constant 2 : i32
    %mul3A_0 = arith.muli %arg1, %mul3A : i32
    %add3A = arith.addi %mul3A_0, %arg0 : i32
    "tpu.region"() ({
      %run_scoped3A = tpu.sem_alloc : memref<!tpu.dma_semaphore, #tpu.memory_space<semaphore_mem>>
      %dma_start3A_52 = arith.constant 0 : i32
      %dma_start3A_53 = arith.constant 0 : i32
      %dma_start3A_54 = tpu.memref_slice %arg3[%add3A, %dma_start3A_52, %dma_start3A_53] : memref<32x240x128xi32, #tpu.memory_space<hbm>> -> memref<1x240x128xi32, #tpu.memory_space<hbm>>
      %dma_start3A_55 = tpu.memref_squeeze %dma_start3A_54 : memref<1x240x128xi32, #tpu.memory_space<hbm>> -> memref<240x128xi32, #tpu.memory_space<hbm>>
      %dma_start3A_56 = arith.constant 0 : i32
      %dma_start3A_57 = arith.constant 0 : i32
      %dma_start3A_58 = tpu.memref_slice %arg3[%add3A, %dma_start3A_56, %dma_start3A_57] : memref<32x240x128xi32, #tpu.memory_space<hbm>> -> memref<1x240x128xi32, #tpu.memory_space<hbm>>
      %dma_start3A_59 = tpu.memref_squeeze %dma_start3A_58 : memref<1x240x128xi32, #tpu.memory_space<hbm>> -> memref<240x128xi32, #tpu.memory_space<hbm>>
      tpu.enqueue_dma source(%dma_start3A_59 : memref<240x128xi32, #tpu.memory_space<hbm>>) target(%arg6 : memref<240x128xi32, #tpu.memory_space<vmem>>) target_semaphore(%run_scoped3A : memref<!tpu.dma_semaphore, #tpu.memory_space<semaphore_mem>>)
      %dma_wait3A_60 = arith.constant 0 : i32
      %dma_wait3A_61 = arith.constant 0 : i32
      %dma_wait3A_62 = tpu.memref_slice %arg3[%add3A, %dma_wait3A_60, %dma_wait3A_61] : memref<32x240x128xi32, #tpu.memory_space<hbm>> -> memref<1x240x128xi32, #tpu.memory_space<hbm>>
      %dma_wait3A_63 = tpu.memref_squeeze %dma_wait3A_62 : memref<1x240x128xi32, #tpu.memory_space<hbm>> -> memref<240x128xi32, #tpu.memory_space<hbm>>
      %dma_wait3A_64 = arith.constant 0 : i32
      %dma_wait3A_65 = arith.constant 0 : i32
      %dma_wait3A_66 = tpu.memref_slice %arg3[%add3A, %dma_wait3A_64, %dma_wait3A_65] : memref<32x240x128xi32, #tpu.memory_space<hbm>> -> memref<1x240x128xi32, #tpu.memory_space<hbm>>
      %dma_wait3A_67 = tpu.memref_squeeze %dma_wait3A_66 : memref<1x240x128xi32, #tpu.memory_space<hbm>> -> memref<240x128xi32, #tpu.memory_space<hbm>>
      tpu.wait_dma2 semaphore(%run_scoped3A : memref<!tpu.dma_semaphore, #tpu.memory_space<semaphore_mem>>) src(%dma_wait3A_67 : memref<240x128xi32, #tpu.memory_space<hbm>>) dst(%arg6 : memref<240x128xi32, #tpu.memory_space<vmem>>)
      tpu.yield
    }) : () -> ()
    "tpu.region"() ({
      %run_scoped3A = tpu.sem_alloc : memref<!tpu.dma_semaphore, #tpu.memory_space<semaphore_mem>>
      tpu.enqueue_dma source(%arg4 : memref<240x128xi32, #tpu.memory_space<hbm>>) target(%arg7 : memref<240x128xi32, #tpu.memory_space<vmem>>) target_semaphore(%run_scoped3A : memref<!tpu.dma_semaphore, #tpu.memory_space<semaphore_mem>>)
      tpu.wait_dma2 semaphore(%run_scoped3A : memref<!tpu.dma_semaphore, #tpu.memory_space<semaphore_mem>>) src(%arg4 : memref<240x128xi32, #tpu.memory_space<hbm>>) dst(%arg7 : memref<240x128xi32, #tpu.memory_space<vmem>>)
      tpu.yield
    }) : () -> ()
    %scan3A = arith.constant 0 : i32
    %scan3A_1 = arith.constant 0 : i32
    %scan3A_2 = arith.constant 240 : i32
    %scan3A_3 = arith.addi %scan3A_1, %scan3A_2 : i32
    %scan3A_4 = arith.constant 1 : i32
    scf.for %scan3A_52 = %scan3A_1 to %scan3A_3 step %scan3A_4  : i32 {
      %get3A = arith.index_cast %scan3A_52 : i32 to index
      %get3A_53 = arith.constant 0 : index
      %get3A_54 = tpu.vector_load %arg6[%get3A, %get3A_53] {strides = array<i32>} : memref<240x128xi32, #tpu.memory_space<vmem>>, vector<1x16xi32>,
      %get3A_55 = vector.shape_cast %get3A_54 : vector<1x16xi32> to vector<16xi32>
      %get3A_56 = arith.index_cast %scan3A_52 : i32 to index
      %get3A_57 = arith.constant 0 : index
      %get3A_58 = tpu.vector_load %arg7[%get3A_56, %get3A_57] {strides = array<i32>} : memref<240x128xi32, #tpu.memory_space<vmem>>, vector<1x16xi32>,
      %get3A_59 = vector.shape_cast %get3A_58 : vector<1x16xi32> to vector<16xi32>
      %add3A_60 = arith.addi %get3A_55, %get3A_59 : vector<16xi32>
      %swap3A = arith.index_cast %scan3A_52 : i32 to index
      %swap3A_61 = arith.constant 0 : index
      %swap3A_62 = tpu.vector_load %arg6[%swap3A, %swap3A_61] {strides = array<i32>} : memref<240x128xi32, #tpu.memory_space<vmem>>, vector<1x16xi32>,
      %swap3A_63 = vector.shape_cast %swap3A_62 : vector<1x16xi32> to vector<16xi32>
      %swap3A_64 = vector.shape_cast %add3A_60 : vector<16xi32> to vector<1x16xi32>
      tpu.vector_store %arg6[%swap3A, %swap3A_61], %swap3A_64 {strides = array<i32>} : memref<240x128xi32, #tpu.memory_space<vmem>>, vector<1x16xi32>,
      %get3A_65 = arith.index_cast %scan3A_52 : i32 to index
      %get3A_66 = arith.constant 16 : index
      %get3A_67 = tpu.vector_load %arg6[%get3A_65, %get3A_66] {strides = array<i32>} : memref<240x128xi32, #tpu.memory_space<vmem>>, vector<1x16xi32>,
      %get3A_68 = vector.shape_cast %get3A_67 : vector<1x16xi32> to vector<16xi32>
      %get3A_69 = arith.index_cast %scan3A_52 : i32 to index
      %get3A_70 = arith.constant 16 : index
      %get3A_71 = tpu.vector_load %arg7[%get3A_69, %get3A_70] {strides = array<i32>} : memref<240x128xi32, #tpu.memory_space<vmem>>, vector<1x16xi32>,
      %get3A_72 = vector.shape_cast %get3A_71 : vector<1x16xi32> to vector<16xi32>
      %add3A_73 = arith.addi %get3A_68, %get3A_72 : vector<16xi32>
      %swap3A_74 = arith.index_cast %scan3A_52 : i32 to index
      %swap3A_75 = arith.constant 16 : index
      %swap3A_76 = tpu.vector_load %arg6[%swap3A_74, %swap3A_75] {strides = array<i32>} : memref<240x128xi32, #tpu.memory_space<vmem>>, vector<1x16xi32>,
      %swap3A_77 = vector.shape_cast %swap3A_76 : vector<1x16xi32> to vector<16xi32>
      %swap3A_78 = vector.shape_cast %add3A_73 : vector<16xi32> to vector<1x16xi32>
      tpu.vector_store %arg6[%swap3A_74, %swap3A_75], %swap3A_78 {strides = array<i32>} : memref<240x128xi32, #tpu.memory_space<vmem>>, vector<1x16xi32>,
      %get3A_79 = arith.index_cast %scan3A_52 : i32 to index
      %get3A_80 = arith.constant 32 : index
      %get3A_81 = tpu.vector_load %arg6[%get3A_79, %get3A_80] {strides = array<i32>} : memref<240x128xi32, #tpu.memory_space<vmem>>, vector<1x16xi32>,
      %get3A_82 = vector.shape_cast %get3A_81 : vector<1x16xi32> to vector<16xi32>
      %get3A_83 = arith.index_cast %scan3A_52 : i32 to index
      %get3A_84 = arith.constant 32 : index
      %get3A_85 = tpu.vector_load %arg7[%get3A_83, %get3A_84] {strides = array<i32>} : memref<240x128xi32, #tpu.memory_space<vmem>>, vector<1x16xi32>,
      %get3A_86 = vector.shape_cast %get3A_85 : vector<1x16xi32> to vector<16xi32>
      %add3A_87 = arith.addi %get3A_82, %get3A_86 : vector<16xi32>
      %swap3A_88 = arith.index_cast %scan3A_52 : i32 to index
      %swap3A_89 = arith.constant 32 : index
      %swap3A_90 = tpu.vector_load %arg6[%swap3A_88, %swap3A_89] {strides = array<i32>} : memref<240x128xi32, #tpu.memory_space<vmem>>, vector<1x16xi32>,
      %swap3A_91 = vector.shape_cast %swap3A_90 : vector<1x16xi32> to vector<16xi32>
      %swap3A_92 = vector.shape_cast %add3A_87 : vector<16xi32> to vector<1x16xi32>
      tpu.vector_store %arg6[%swap3A_88, %swap3A_89], %swap3A_92 {strides = array<i32>} : memref<240x128xi32, #tpu.memory_space<vmem>>, vector<1x16xi32>,
      %get3A_93 = arith.index_cast %scan3A_52 : i32 to index
      %get3A_94 = arith.constant 48 : index
      %get3A_95 = tpu.vector_load %arg6[%get3A_93, %get3A_94] {strides = array<i32>} : memref<240x128xi32, #tpu.memory_space<vmem>>, vector<1x16xi32>,
      %get3A_96 = vector.shape_cast %get3A_95 : vector<1x16xi32> to vector<16xi32>
      %get3A_97 = arith.index_cast %scan3A_52 : i32 to index
      %get3A_98 = arith.constant 48 : index
      %get3A_99 = tpu.vector_load %arg7[%get3A_97, %get3A_98] {strides = array<i32>} : memref<240x128xi32, #tpu.memory_space<vmem>>, vector<1x16xi32>,
      %get3A_100 = vector.shape_cast %get3A_99 : vector<1x16xi32> to vector<16xi32>
      %add3A_101 = arith.addi %get3A_96, %get3A_100 : vector<16xi32>
      %swap3A_102 = arith.index_cast %scan3A_52 : i32 to index
      %swap3A_103 = arith.constant 48 : index
      %swap3A_104 = tpu.vector_load %arg6[%swap3A_102, %swap3A_103] {strides = array<i32>} : memref<240x128xi32, #tpu.memory_space<vmem>>, vector<1x16xi32>,
      %swap3A_105 = vector.shape_cast %swap3A_104 : vector<1x16xi32> to vector<16xi32>
      %swap3A_106 = vector.shape_cast %add3A_101 : vector<16xi32> to vector<1x16xi32>
      tpu.vector_store %arg6[%swap3A_102, %swap3A_103], %swap3A_106 {strides = array<i32>} : memref<240x128xi32, #tpu.memory_space<vmem>>, vector<1x16xi32>,
      %get3A_107 = arith.index_cast %scan3A_52 : i32 to index
      %get3A_108 = arith.constant 64 : index
      %get3A_109 = tpu.vector_load %arg6[%get3A_107, %get3A_108] {strides = array<i32>} : memref<240x128xi32, #tpu.memory_space<vmem>>, vector<1x16xi32>,
      %get3A_110 = vector.shape_cast %get3A_109 : vector<1x16xi32> to vector<16xi32>
      %get3A_111 = arith.index_cast %scan3A_52 : i32 to index
      %get3A_112 = arith.constant 64 : index
      %get3A_113 = tpu.vector_load %arg7[%get3A_111, %get3A_112] {strides = array<i32>} : memref<240x128xi32, #tpu.memory_space<vmem>>, vector<1x16xi32>,
      %get3A_114 = vector.shape_cast %get3A_113 : vector<1x16xi32> to vector<16xi32>
      %add3A_115 = arith.addi %get3A_110, %get3A_114 : vector<16xi32>
      %swap3A_116 = arith.index_cast %scan3A_52 : i32 to index
      %swap3A_117 = arith.constant 64 : index
      %swap3A_118 = tpu.vector_load %arg6[%swap3A_116, %swap3A_117] {strides = array<i32>} : memref<240x128xi32, #tpu.memory_space<vmem>>, vector<1x16xi32>,
      %swap3A_119 = vector.shape_cast %swap3A_118 : vector<1x16xi32> to vector<16xi32>
      %swap3A_120 = vector.shape_cast %add3A_115 : vector<16xi32> to vector<1x16xi32>
      tpu.vector_store %arg6[%swap3A_116, %swap3A_117], %swap3A_120 {strides = array<i32>} : memref<240x128xi32, #tpu.memory_space<vmem>>, vector<1x16xi32>,
      %get3A_121 = arith.index_cast %scan3A_52 : i32 to index
      %get3A_122 = arith.constant 80 : index
      %get3A_123 = tpu.vector_load %arg6[%get3A_121, %get3A_122] {strides = array<i32>} : memref<240x128xi32, #tpu.memory_space<vmem>>, vector<1x16xi32>,
      %get3A_124 = vector.shape_cast %get3A_123 : vector<1x16xi32> to vector<16xi32>
      %get3A_125 = arith.index_cast %scan3A_52 : i32 to index
      %get3A_126 = arith.constant 80 : index
      %get3A_127 = tpu.vector_load %arg7[%get3A_125, %get3A_126] {strides = array<i32>} : memref<240x128xi32, #tpu.memory_space<vmem>>, vector<1x16xi32>,
      %get3A_128 = vector.shape_cast %get3A_127 : vector<1x16xi32> to vector<16xi32>
      %add3A_129 = arith.addi %get3A_124, %get3A_128 : vector<16xi32>
      %swap3A_130 = arith.index_cast %scan3A_52 : i32 to index
      %swap3A_131 = arith.constant 80 : index
      %swap3A_132 = tpu.vector_load %arg6[%swap3A_130, %swap3A_131] {strides = array<i32>} : memref<240x128xi32, #tpu.memory_space<vmem>>, vector<1x16xi32>,
      %swap3A_133 = vector.shape_cast %swap3A_132 : vector<1x16xi32> to vector<16xi32>
      %swap3A_134 = vector.shape_cast %add3A_129 : vector<16xi32> to vector<1x16xi32>
      tpu.vector_store %arg6[%swap3A_130, %swap3A_131], %swap3A_134 {strides = array<i32>} : memref<240x128xi32, #tpu.memory_space<vmem>>, vector<1x16xi32>,
      %get3A_135 = arith.index_cast %scan3A_52 : i32 to index
      %get3A_136 = arith.constant 96 : index
      %get3A_137 = tpu.vector_load %arg6[%get3A_135, %get3A_136] {strides = array<i32>} : memref<240x128xi32, #tpu.memory_space<vmem>>, vector<1x16xi32>,
      %get3A_138 = vector.shape_cast %get3A_137 : vector<1x16xi32> to vector<16xi32>
      %get3A_139 = arith.index_cast %scan3A_52 : i32 to index
      %get3A_140 = arith.constant 96 : index
      %get3A_141 = tpu.vector_load %arg7[%get3A_139, %get3A_140] {strides = array<i32>} : memref<240x128xi32, #tpu.memory_space<vmem>>, vector<1x16xi32>,
      %get3A_142 = vector.shape_cast %get3A_141 : vector<1x16xi32> to vector<16xi32>
      %add3A_143 = arith.addi %get3A_138, %get3A_142 : vector<16xi32>
      %swap3A_144 = arith.index_cast %scan3A_52 : i32 to index
      %swap3A_145 = arith.constant 96 : index
      %swap3A_146 = tpu.vector_load %arg6[%swap3A_144, %swap3A_145] {strides = array<i32>} : memref<240x128xi32, #tpu.memory_space<vmem>>, vector<1x16xi32>,
      %swap3A_147 = vector.shape_cast %swap3A_146 : vector<1x16xi32> to vector<16xi32>
      %swap3A_148 = vector.shape_cast %add3A_143 : vector<16xi32> to vector<1x16xi32>
      tpu.vector_store %arg6[%swap3A_144, %swap3A_145], %swap3A_148 {strides = array<i32>} : memref<240x128xi32, #tpu.memory_space<vmem>>, vector<1x16xi32>,
      %get3A_149 = arith.index_cast %scan3A_52 : i32 to index
      %get3A_150 = arith.constant 112 : index
      %get3A_151 = tpu.vector_load %arg6[%get3A_149, %get3A_150] {strides = array<i32>} : memref<240x128xi32, #tpu.memory_space<vmem>>, vector<1x16xi32>,
      %get3A_152 = vector.shape_cast %get3A_151 : vector<1x16xi32> to vector<16xi32>
      %get3A_153 = arith.index_cast %scan3A_52 : i32 to index
      %get3A_154 = arith.constant 112 : index
      %get3A_155 = tpu.vector_load %arg7[%get3A_153, %get3A_154] {strides = array<i32>} : memref<240x128xi32, #tpu.memory_space<vmem>>, vector<1x16xi32>,
      %get3A_156 = vector.shape_cast %get3A_155 : vector<1x16xi32> to vector<16xi32>
      %add3A_157 = arith.addi %get3A_152, %get3A_156 : vector<16xi32>
      %swap3A_158 = arith.index_cast %scan3A_52 : i32 to index
      %swap3A_159 = arith.constant 112 : index
      %swap3A_160 = tpu.vector_load %arg6[%swap3A_158, %swap3A_159] {strides = array<i32>} : memref<240x128xi32, #tpu.memory_space<vmem>>, vector<1x16xi32>,
      %swap3A_161 = vector.shape_cast %swap3A_160 : vector<1x16xi32> to vector<16xi32>
      %swap3A_162 = vector.shape_cast %add3A_157 : vector<16xi32> to vector<1x16xi32>
      tpu.vector_store %arg6[%swap3A_158, %swap3A_159], %swap3A_162 {strides = array<i32>} : memref<240x128xi32, #tpu.memory_space<vmem>>, vector<1x16xi32>,
    }
    %scan3A_5 = arith.constant 240 : i32
    %dma_start3A = arith.constant 0 : i32
    %dma_start3A_6 = arith.constant 0 : i32
    %dma_start3A_7 = tpu.memref_slice %arg6[%dma_start3A, %dma_start3A_6] : memref<240x128xi32, #tpu.memory_space<vmem>> -> memref<1x128xi32, #tpu.memory_space<vmem>>
    %dma_start3A_8 = tpu.memref_squeeze %dma_start3A_7 : memref<1x128xi32, #tpu.memory_space<vmem>> -> memref<128xi32, #tpu.memory_space<vmem>>
    %dma_start3A_9 = arith.constant 0 : i32
    %dma_start3A_10 = arith.constant 0 : i32
    %dma_start3A_11 = tpu.memref_slice %arg2[%dma_start3A_9, %dma_start3A_10] : memref<9000x128xf32, #tpu.memory_space<hbm>> -> memref<9000x128xf32, #tpu.memory_space<hbm>>
    tpu.enqueue_indirect_dma source(%dma_start3A_11 : memref<9000x128xf32, #tpu.memory_space<hbm>>) target(%arg8 : memref<128x128xf32, #tpu.memory_space<vmem>>) offsets(%dma_start3A_8 : memref<128xi32, #tpu.memory_space<vmem>>) semaphore(%arg11 : memref<!tpu.dma_semaphore, #tpu.memory_space<semaphore_mem>>)
    %dma_start3A_12 = arith.constant 1 : i32
    %dma_start3A_13 = arith.constant 0 : i32
    %dma_start3A_14 = tpu.memref_slice %arg6[%dma_start3A_12, %dma_start3A_13] : memref<240x128xi32, #tpu.memory_space<vmem>> -> memref<1x128xi32, #tpu.memory_space<vmem>>
    %dma_start3A_15 = tpu.memref_squeeze %dma_start3A_14 : memref<1x128xi32, #tpu.memory_space<vmem>> -> memref<128xi32, #tpu.memory_space<vmem>>
    %dma_start3A_16 = arith.constant 0 : i32
    %dma_start3A_17 = arith.constant 0 : i32
    %dma_start3A_18 = tpu.memref_slice %arg2[%dma_start3A_16, %dma_start3A_17] : memref<9000x128xf32, #tpu.memory_space<hbm>> -> memref<9000x128xf32, #tpu.memory_space<hbm>>
    tpu.enqueue_indirect_dma source(%dma_start3A_18 : memref<9000x128xf32, #tpu.memory_space<hbm>>) target(%arg9 : memref<128x128xf32, #tpu.memory_space<vmem>>) offsets(%dma_start3A_15 : memref<128xi32, #tpu.memory_space<vmem>>) semaphore(%arg12 : memref<!tpu.dma_semaphore, #tpu.memory_space<semaphore_mem>>)
    %dma_start3A_19 = arith.constant 2 : i32
    %dma_start3A_20 = arith.constant 0 : i32
    %dma_start3A_21 = tpu.memref_slice %arg6[%dma_start3A_19, %dma_start3A_20] : memref<240x128xi32, #tpu.memory_space<vmem>> -> memref<1x128xi32, #tpu.memory_space<vmem>>
    %dma_start3A_22 = tpu.memref_squeeze %dma_start3A_21 : memref<1x128xi32, #tpu.memory_space<vmem>> -> memref<128xi32, #tpu.memory_space<vmem>>
    %dma_start3A_23 = arith.constant 0 : i32
    %dma_start3A_24 = arith.constant 0 : i32
    %dma_start3A_25 = tpu.memref_slice %arg2[%dma_start3A_23, %dma_start3A_24] : memref<9000x128xf32, #tpu.memory_space<hbm>> -> memref<9000x128xf32, #tpu.memory_space<hbm>>
    tpu.enqueue_indirect_dma source(%dma_start3A_25 : memref<9000x128xf32, #tpu.memory_space<hbm>>) target(%arg10 : memref<128x128xf32, #tpu.memory_space<vmem>>) offsets(%dma_start3A_22 : memref<128xi32, #tpu.memory_space<vmem>>) semaphore(%arg13 : memref<!tpu.dma_semaphore, #tpu.memory_space<semaphore_mem>>)
    %scan3A_26 = arith.constant 0 : i32
    %scan3A_27 = arith.constant 0 : i32
    %scan3A_28 = arith.constant 79 : i32
    %scan3A_29 = arith.addi %scan3A_27, %scan3A_28 : i32
    %scan3A_30 = arith.constant 1 : i32
    scf.for %scan3A_52 = %scan3A_27 to %scan3A_29 step %scan3A_30  : i32 {
      %mul3A_53 = arith.constant 3 : i32
      %mul3A_54 = arith.muli %scan3A_52, %mul3A_53 : i32
      %add3A_55 = arith.constant 0 : i32
      %add3A_56 = arith.addi %mul3A_54, %add3A_55 : i32
      %dma_wait3A_57 = arith.constant 0 : i32
      %dma_wait3A_58 = tpu.memref_slice %arg6[%add3A_56, %dma_wait3A_57] : memref<240x128xi32, #tpu.memory_space<vmem>> -> memref<1x128xi32, #tpu.memory_space<vmem>>
      %dma_wait3A_59 = tpu.memref_squeeze %dma_wait3A_58 : memref<1x128xi32, #tpu.memory_space<vmem>> -> memref<128xi32, #tpu.memory_space<vmem>>
      %dma_wait3A_60 = arith.constant 0 : i32
      %dma_wait3A_61 = arith.constant 0 : i32
      %dma_wait3A_62 = tpu.memref_slice %arg2[%dma_wait3A_60, %dma_wait3A_61] : memref<9000x128xf32, #tpu.memory_space<hbm>> -> memref<9000x128xf32, #tpu.memory_space<hbm>>
      tpu.wait_indirect_dma semaphore(%arg11 : memref<!tpu.dma_semaphore, #tpu.memory_space<semaphore_mem>>) src(%dma_wait3A_62 : memref<9000x128xf32, #tpu.memory_space<hbm>>) dst(%arg8 : memref<128x128xf32, #tpu.memory_space<vmem>>)
      %mul3A_63 = arith.constant 128 : i32
      %mul3A_64 = arith.muli %add3A_56, %mul3A_63 : i32
      "tpu.region"() ({
        %run_scoped3A = tpu.sem_alloc : memref<!tpu.dma_semaphore, #tpu.memory_space<semaphore_mem>>
        %dma_start3A_113 = arith.constant 0 : i32
        %dma_start3A_114 = tpu.memref_slice %arg5[%add3A, %mul3A_64, %dma_start3A_113] : memref<32x30720x128xf32, #tpu.memory_space<hbm>> -> memref<1x128x128xf32, #tpu.memory_space<hbm>>
        %dma_start3A_115 = tpu.memref_squeeze %dma_start3A_114 : memref<1x128x128xf32, #tpu.memory_space<hbm>> -> memref<128x128xf32, #tpu.memory_space<hbm>>
        %dma_start3A_116 = arith.constant 0 : i32
        %dma_start3A_117 = tpu.memref_slice %arg5[%add3A, %mul3A_64, %dma_start3A_116] : memref<32x30720x128xf32, #tpu.memory_space<hbm>> -> memref<1x128x128xf32, #tpu.memory_space<hbm>>
        %dma_start3A_118 = tpu.memref_squeeze %dma_start3A_117 : memref<1x128x128xf32, #tpu.memory_space<hbm>> -> memref<128x128xf32, #tpu.memory_space<hbm>>
        tpu.enqueue_dma source(%arg8 : memref<128x128xf32, #tpu.memory_space<vmem>>) target(%dma_start3A_118 : memref<128x128xf32, #tpu.memory_space<hbm>>) target_semaphore(%run_scoped3A : memref<!tpu.dma_semaphore, #tpu.memory_space<semaphore_mem>>)
        %dma_wait3A_119 = arith.constant 0 : i32
        %dma_wait3A_120 = tpu.memref_slice %arg5[%add3A, %mul3A_64, %dma_wait3A_119] : memref<32x30720x128xf32, #tpu.memory_space<hbm>> -> memref<1x128x128xf32, #tpu.memory_space<hbm>>
        %dma_wait3A_121 = tpu.memref_squeeze %dma_wait3A_120 : memref<1x128x128xf32, #tpu.memory_space<hbm>> -> memref<128x128xf32, #tpu.memory_space<hbm>>
        %dma_wait3A_122 = arith.constant 0 : i32
        %dma_wait3A_123 = tpu.memref_slice %arg5[%add3A, %mul3A_64, %dma_wait3A_122] : memref<32x30720x128xf32, #tpu.memory_space<hbm>> -> memref<1x128x128xf32, #tpu.memory_space<hbm>>
        %dma_wait3A_124 = tpu.memref_squeeze %dma_wait3A_123 : memref<1x128x128xf32, #tpu.memory_space<hbm>> -> memref<128x128xf32, #tpu.memory_space<hbm>>
        tpu.wait_dma2 semaphore(%run_scoped3A : memref<!tpu.dma_semaphore, #tpu.memory_space<semaphore_mem>>) src(%arg8 : memref<128x128xf32, #tpu.memory_space<vmem>>) dst(%dma_wait3A_124 : memref<128x128xf32, #tpu.memory_space<hbm>>)
        tpu.yield
      }) : () -> ()
      %add3A_65 = arith.constant 3 : i32
      %add3A_66 = arith.addi %add3A_56, %add3A_65 : i32
      %dma_start3A_67 = arith.constant 0 : i32
      %dma_start3A_68 = tpu.memref_slice %arg6[%add3A_66, %dma_start3A_67] : memref<240x128xi32, #tpu.memory_space<vmem>> -> memref<1x128xi32, #tpu.memory_space<vmem>>
      %dma_start3A_69 = tpu.memref_squeeze %dma_start3A_68 : memref<1x128xi32, #tpu.memory_space<vmem>> -> memref<128xi32, #tpu.memory_space<vmem>>
      %dma_start3A_70 = arith.constant 0 : i32
      %dma_start3A_71 = arith.constant 0 : i32
      %dma_start3A_72 = tpu.memref_slice %arg2[%dma_start3A_70, %dma_start3A_71] : memref<9000x128xf32, #tpu.memory_space<hbm>> -> memref<9000x128xf32, #tpu.memory_space<hbm>>
      tpu.enqueue_indirect_dma source(%dma_start3A_72 : memref<9000x128xf32, #tpu.memory_space<hbm>>) target(%arg8 : memref<128x128xf32, #tpu.memory_space<vmem>>) offsets(%dma_start3A_69 : memref<128xi32, #tpu.memory_space<vmem>>) semaphore(%arg11 : memref<!tpu.dma_semaphore, #tpu.memory_space<semaphore_mem>>)
      %mul3A_73 = arith.constant 3 : i32
      %mul3A_74 = arith.muli %scan3A_52, %mul3A_73 : i32
      %add3A_75 = arith.constant 1 : i32
      %add3A_76 = arith.addi %mul3A_74, %add3A_75 : i32
      %dma_wait3A_77 = arith.constant 0 : i32
      %dma_wait3A_78 = tpu.memref_slice %arg6[%add3A_76, %dma_wait3A_77] : memref<240x128xi32, #tpu.memory_space<vmem>> -> memref<1x128xi32, #tpu.memory_space<vmem>>
      %dma_wait3A_79 = tpu.memref_squeeze %dma_wait3A_78 : memref<1x128xi32, #tpu.memory_space<vmem>> -> memref<128xi32, #tpu.memory_space<vmem>>
      %dma_wait3A_80 = arith.constant 0 : i32
      %dma_wait3A_81 = arith.constant 0 : i32
      %dma_wait3A_82 = tpu.memref_slice %arg2[%dma_wait3A_80, %dma_wait3A_81] : memref<9000x128xf32, #tpu.memory_space<hbm>> -> memref<9000x128xf32, #tpu.memory_space<hbm>>
      tpu.wait_indirect_dma semaphore(%arg12 : memref<!tpu.dma_semaphore, #tpu.memory_space<semaphore_mem>>) src(%dma_wait3A_82 : memref<9000x128xf32, #tpu.memory_space<hbm>>) dst(%arg9 : memref<128x128xf32, #tpu.memory_space<vmem>>)
      %mul3A_83 = arith.constant 128 : i32
      %mul3A_84 = arith.muli %add3A_76, %mul3A_83 : i32
      "tpu.region"() ({
        %run_scoped3A = tpu.sem_alloc : memref<!tpu.dma_semaphore, #tpu.memory_space<semaphore_mem>>
        %dma_start3A_113 = arith.constant 0 : i32
        %dma_start3A_114 = tpu.memref_slice %arg5[%add3A, %mul3A_84, %dma_start3A_113] : memref<32x30720x128xf32, #tpu.memory_space<hbm>> -> memref<1x128x128xf32, #tpu.memory_space<hbm>>
        %dma_start3A_115 = tpu.memref_squeeze %dma_start3A_114 : memref<1x128x128xf32, #tpu.memory_space<hbm>> -> memref<128x128xf32, #tpu.memory_space<hbm>>
        %dma_start3A_116 = arith.constant 0 : i32
        %dma_start3A_117 = tpu.memref_slice %arg5[%add3A, %mul3A_84, %dma_start3A_116] : memref<32x30720x128xf32, #tpu.memory_space<hbm>> -> memref<1x128x128xf32, #tpu.memory_space<hbm>>
        %dma_start3A_118 = tpu.memref_squeeze %dma_start3A_117 : memref<1x128x128xf32, #tpu.memory_space<hbm>> -> memref<128x128xf32, #tpu.memory_space<hbm>>
        tpu.enqueue_dma source(%arg9 : memref<128x128xf32, #tpu.memory_space<vmem>>) target(%dma_start3A_118 : memref<128x128xf32, #tpu.memory_space<hbm>>) target_semaphore(%run_scoped3A : memref<!tpu.dma_semaphore, #tpu.memory_space<semaphore_mem>>)
        %dma_wait3A_119 = arith.constant 0 : i32
        %dma_wait3A_120 = tpu.memref_slice %arg5[%add3A, %mul3A_84, %dma_wait3A_119] : memref<32x30720x128xf32, #tpu.memory_space<hbm>> -> memref<1x128x128xf32, #tpu.memory_space<hbm>>
        %dma_wait3A_121 = tpu.memref_squeeze %dma_wait3A_120 : memref<1x128x128xf32, #tpu.memory_space<hbm>> -> memref<128x128xf32, #tpu.memory_space<hbm>>
        %dma_wait3A_122 = arith.constant 0 : i32
        %dma_wait3A_123 = tpu.memref_slice %arg5[%add3A, %mul3A_84, %dma_wait3A_122] : memref<32x30720x128xf32, #tpu.memory_space<hbm>> -> memref<1x128x128xf32, #tpu.memory_space<hbm>>
        %dma_wait3A_124 = tpu.memref_squeeze %dma_wait3A_123 : memref<1x128x128xf32, #tpu.memory_space<hbm>> -> memref<128x128xf32, #tpu.memory_space<hbm>>
        tpu.wait_dma2 semaphore(%run_scoped3A : memref<!tpu.dma_semaphore, #tpu.memory_space<semaphore_mem>>) src(%arg9 : memref<128x128xf32, #tpu.memory_space<vmem>>) dst(%dma_wait3A_124 : memref<128x128xf32, #tpu.memory_space<hbm>>)
        tpu.yield
      }) : () -> ()
      %add3A_85 = arith.constant 3 : i32
      %add3A_86 = arith.addi %add3A_76, %add3A_85 : i32
      %dma_start3A_87 = arith.constant 0 : i32
      %dma_start3A_88 = tpu.memref_slice %arg6[%add3A_86, %dma_start3A_87] : memref<240x128xi32, #tpu.memory_space<vmem>> -> memref<1x128xi32, #tpu.memory_space<vmem>>
      %dma_start3A_89 = tpu.memref_squeeze %dma_start3A_88 : memref<1x128xi32, #tpu.memory_space<vmem>> -> memref<128xi32, #tpu.memory_space<vmem>>
      %dma_start3A_90 = arith.constant 0 : i32
      %dma_start3A_91 = arith.constant 0 : i32
      %dma_start3A_92 = tpu.memref_slice %arg2[%dma_start3A_90, %dma_start3A_91] : memref<9000x128xf32, #tpu.memory_space<hbm>> -> memref<9000x128xf32, #tpu.memory_space<hbm>>
      tpu.enqueue_indirect_dma source(%dma_start3A_92 : memref<9000x128xf32, #tpu.memory_space<hbm>>) target(%arg9 : memref<128x128xf32, #tpu.memory_space<vmem>>) offsets(%dma_start3A_89 : memref<128xi32, #tpu.memory_space<vmem>>) semaphore(%arg12 : memref<!tpu.dma_semaphore, #tpu.memory_space<semaphore_mem>>)
      %mul3A_93 = arith.constant 3 : i32
      %mul3A_94 = arith.muli %scan3A_52, %mul3A_93 : i32
      %add3A_95 = arith.constant 2 : i32
      %add3A_96 = arith.addi %mul3A_94, %add3A_95 : i32
      %dma_wait3A_97 = arith.constant 0 : i32
      %dma_wait3A_98 = tpu.memref_slice %arg6[%add3A_96, %dma_wait3A_97] : memref<240x128xi32, #tpu.memory_space<vmem>> -> memref<1x128xi32, #tpu.memory_space<vmem>>
      %dma_wait3A_99 = tpu.memref_squeeze %dma_wait3A_98 : memref<1x128xi32, #tpu.memory_space<vmem>> -> memref<128xi32, #tpu.memory_space<vmem>>
      %dma_wait3A_100 = arith.constant 0 : i32
      %dma_wait3A_101 = arith.constant 0 : i32
      %dma_wait3A_102 = tpu.memref_slice %arg2[%dma_wait3A_100, %dma_wait3A_101] : memref<9000x128xf32, #tpu.memory_space<hbm>> -> memref<9000x128xf32, #tpu.memory_space<hbm>>
      tpu.wait_indirect_dma semaphore(%arg13 : memref<!tpu.dma_semaphore, #tpu.memory_space<semaphore_mem>>) src(%dma_wait3A_102 : memref<9000x128xf32, #tpu.memory_space<hbm>>) dst(%arg10 : memref<128x128xf32, #tpu.memory_space<vmem>>)
      %mul3A_103 = arith.constant 128 : i32
      %mul3A_104 = arith.muli %add3A_96, %mul3A_103 : i32
      "tpu.region"() ({
        %run_scoped3A = tpu.sem_alloc : memref<!tpu.dma_semaphore, #tpu.memory_space<semaphore_mem>>
        %dma_start3A_113 = arith.constant 0 : i32
        %dma_start3A_114 = tpu.memref_slice %arg5[%add3A, %mul3A_104, %dma_start3A_113] : memref<32x30720x128xf32, #tpu.memory_space<hbm>> -> memref<1x128x128xf32, #tpu.memory_space<hbm>>
        %dma_start3A_115 = tpu.memref_squeeze %dma_start3A_114 : memref<1x128x128xf32, #tpu.memory_space<hbm>> -> memref<128x128xf32, #tpu.memory_space<hbm>>
        %dma_start3A_116 = arith.constant 0 : i32
        %dma_start3A_117 = tpu.memref_slice %arg5[%add3A, %mul3A_104, %dma_start3A_116] : memref<32x30720x128xf32, #tpu.memory_space<hbm>> -> memref<1x128x128xf32, #tpu.memory_space<hbm>>
        %dma_start3A_118 = tpu.memref_squeeze %dma_start3A_117 : memref<1x128x128xf32, #tpu.memory_space<hbm>> -> memref<128x128xf32, #tpu.memory_space<hbm>>
        tpu.enqueue_dma source(%arg10 : memref<128x128xf32, #tpu.memory_space<vmem>>) target(%dma_start3A_118 : memref<128x128xf32, #tpu.memory_space<hbm>>) target_semaphore(%run_scoped3A : memref<!tpu.dma_semaphore, #tpu.memory_space<semaphore_mem>>)
        %dma_wait3A_119 = arith.constant 0 : i32
        %dma_wait3A_120 = tpu.memref_slice %arg5[%add3A, %mul3A_104, %dma_wait3A_119] : memref<32x30720x128xf32, #tpu.memory_space<hbm>> -> memref<1x128x128xf32, #tpu.memory_space<hbm>>
        %dma_wait3A_121 = tpu.memref_squeeze %dma_wait3A_120 : memref<1x128x128xf32, #tpu.memory_space<hbm>> -> memref<128x128xf32, #tpu.memory_space<hbm>>
        %dma_wait3A_122 = arith.constant 0 : i32
        %dma_wait3A_123 = tpu.memref_slice %arg5[%add3A, %mul3A_104, %dma_wait3A_122] : memref<32x30720x128xf32, #tpu.memory_space<hbm>> -> memref<1x128x128xf32, #tpu.memory_space<hbm>>
        %dma_wait3A_124 = tpu.memref_squeeze %dma_wait3A_123 : memref<1x128x128xf32, #tpu.memory_space<hbm>> -> memref<128x128xf32, #tpu.memory_space<hbm>>
        tpu.wait_dma2 semaphore(%run_scoped3A : memref<!tpu.dma_semaphore, #tpu.memory_space<semaphore_mem>>) src(%arg10 : memref<128x128xf32, #tpu.memory_space<vmem>>) dst(%dma_wait3A_124 : memref<128x128xf32, #tpu.memory_space<hbm>>)
        tpu.yield
      }) : () -> ()
      %add3A_105 = arith.constant 3 : i32
      %add3A_106 = arith.addi %add3A_96, %add3A_105 : i32
      %dma_start3A_107 = arith.constant 0 : i32
      %dma_start3A_108 = tpu.memref_slice %arg6[%add3A_106, %dma_start3A_107] : memref<240x128xi32, #tpu.memory_space<vmem>> -> memref<1x128xi32, #tpu.memory_space<vmem>>
      %dma_start3A_109 = tpu.memref_squeeze %dma_start3A_108 : memref<1x128xi32, #tpu.memory_space<vmem>> -> memref<128xi32, #tpu.memory_space<vmem>>
      %dma_start3A_110 = arith.constant 0 : i32
      %dma_start3A_111 = arith.constant 0 : i32
      %dma_start3A_112 = tpu.memref_slice %arg2[%dma_start3A_110, %dma_start3A_111] : memref<9000x128xf32, #tpu.memory_space<hbm>> -> memref<9000x128xf32, #tpu.memory_space<hbm>>
      tpu.enqueue_indirect_dma source(%dma_start3A_112 : memref<9000x128xf32, #tpu.memory_space<hbm>>) target(%arg10 : memref<128x128xf32, #tpu.memory_space<vmem>>) offsets(%dma_start3A_109 : memref<128xi32, #tpu.memory_space<vmem>>) semaphore(%arg13 : memref<!tpu.dma_semaphore, #tpu.memory_space<semaphore_mem>>)
    }
    %scan3A_31 = arith.constant 79 : i32
    %dma_wait3A = arith.constant 237 : i32
    %dma_wait3A_32 = arith.constant 0 : i32
    %dma_wait3A_33 = tpu.memref_slice %arg6[%dma_wait3A, %dma_wait3A_32] : memref<240x128xi32, #tpu.memory_space<vmem>> -> memref<1x128xi32, #tpu.memory_space<vmem>>
    %dma_wait3A_34 = tpu.memref_squeeze %dma_wait3A_33 : memref<1x128xi32, #tpu.memory_space<vmem>> -> memref<128xi32, #tpu.memory_space<vmem>>
    %dma_wait3A_35 = arith.constant 0 : i32
    %dma_wait3A_36 = arith.constant 0 : i32
    %dma_wait3A_37 = tpu.memref_slice %arg2[%dma_wait3A_35, %dma_wait3A_36] : memref<9000x128xf32, #tpu.memory_space<hbm>> -> memref<9000x128xf32, #tpu.memory_space<hbm>>
    tpu.wait_indirect_dma semaphore(%arg11 : memref<!tpu.dma_semaphore, #tpu.memory_space<semaphore_mem>>) src(%dma_wait3A_37 : memref<9000x128xf32, #tpu.memory_space<hbm>>) dst(%arg8 : memref<128x128xf32, #tpu.memory_space<vmem>>)
    "tpu.region"() ({
      %run_scoped3A = tpu.sem_alloc : memref<!tpu.dma_semaphore, #tpu.memory_space<semaphore_mem>>
      %dma_start3A_52 = arith.constant 30336 : i32
      %dma_start3A_53 = arith.constant 0 : i32
      %dma_start3A_54 = tpu.memref_slice %arg5[%add3A, %dma_start3A_52, %dma_start3A_53] : memref<32x30720x128xf32, #tpu.memory_space<hbm>> -> memref<1x128x128xf32, #tpu.memory_space<hbm>>
      %dma_start3A_55 = tpu.memref_squeeze %dma_start3A_54 : memref<1x128x128xf32, #tpu.memory_space<hbm>> -> memref<128x128xf32, #tpu.memory_space<hbm>>
      %dma_start3A_56 = arith.constant 30336 : i32
      %dma_start3A_57 = arith.constant 0 : i32
      %dma_start3A_58 = tpu.memref_slice %arg5[%add3A, %dma_start3A_56, %dma_start3A_57] : memref<32x30720x128xf32, #tpu.memory_space<hbm>> -> memref<1x128x128xf32, #tpu.memory_space<hbm>>
      %dma_start3A_59 = tpu.memref_squeeze %dma_start3A_58 : memref<1x128x128xf32, #tpu.memory_space<hbm>> -> memref<128x128xf32, #tpu.memory_space<hbm>>
      tpu.enqueue_dma source(%arg8 : memref<128x128xf32, #tpu.memory_space<vmem>>) target(%dma_start3A_59 : memref<128x128xf32, #tpu.memory_space<hbm>>) target_semaphore(%run_scoped3A : memref<!tpu.dma_semaphore, #tpu.memory_space<semaphore_mem>>)
      %dma_wait3A_60 = arith.constant 30336 : i32
      %dma_wait3A_61 = arith.constant 0 : i32
      %dma_wait3A_62 = tpu.memref_slice %arg5[%add3A, %dma_wait3A_60, %dma_wait3A_61] : memref<32x30720x128xf32, #tpu.memory_space<hbm>> -> memref<1x128x128xf32, #tpu.memory_space<hbm>>
      %dma_wait3A_63 = tpu.memref_squeeze %dma_wait3A_62 : memref<1x128x128xf32, #tpu.memory_space<hbm>> -> memref<128x128xf32, #tpu.memory_space<hbm>>
      %dma_wait3A_64 = arith.constant 30336 : i32
      %dma_wait3A_65 = arith.constant 0 : i32
      %dma_wait3A_66 = tpu.memref_slice %arg5[%add3A, %dma_wait3A_64, %dma_wait3A_65] : memref<32x30720x128xf32, #tpu.memory_space<hbm>> -> memref<1x128x128xf32, #tpu.memory_space<hbm>>
      %dma_wait3A_67 = tpu.memref_squeeze %dma_wait3A_66 : memref<1x128x128xf32, #tpu.memory_space<hbm>> -> memref<128x128xf32, #tpu.memory_space<hbm>>
      tpu.wait_dma2 semaphore(%run_scoped3A : memref<!tpu.dma_semaphore, #tpu.memory_space<semaphore_mem>>) src(%arg8 : memref<128x128xf32, #tpu.memory_space<vmem>>) dst(%dma_wait3A_67 : memref<128x128xf32, #tpu.memory_space<hbm>>)
      tpu.yield
    }) : () -> ()
    %dma_wait3A_38 = arith.constant 238 : i32
    %dma_wait3A_39 = arith.constant 0 : i32
    %dma_wait3A_40 = tpu.memref_slice %arg6[%dma_wait3A_38, %dma_wait3A_39] : memref<240x128xi32, #tpu.memory_space<vmem>> -> memref<1x128xi32, #tpu.memory_space<vmem>>
    %dma_wait3A_41 = tpu.memref_squeeze %dma_wait3A_40 : memref<1x128xi32, #tpu.memory_space<vmem>> -> memref<128xi32, #tpu.memory_space<vmem>>
    %dma_wait3A_42 = arith.constant 0 : i32
    %dma_wait3A_43 = arith.constant 0 : i32
    %dma_wait3A_44 = tpu.memref_slice %arg2[%dma_wait3A_42, %dma_wait3A_43] : memref<9000x128xf32, #tpu.memory_space<hbm>> -> memref<9000x128xf32, #tpu.memory_space<hbm>>
    tpu.wait_indirect_dma semaphore(%arg12 : memref<!tpu.dma_semaphore, #tpu.memory_space<semaphore_mem>>) src(%dma_wait3A_44 : memref<9000x128xf32, #tpu.memory_space<hbm>>) dst(%arg9 : memref<128x128xf32, #tpu.memory_space<vmem>>)
    "tpu.region"() ({
      %run_scoped3A = tpu.sem_alloc : memref<!tpu.dma_semaphore, #tpu.memory_space<semaphore_mem>>
      %dma_start3A_52 = arith.constant 30464 : i32
      %dma_start3A_53 = arith.constant 0 : i32
      %dma_start3A_54 = tpu.memref_slice %arg5[%add3A, %dma_start3A_52, %dma_start3A_53] : memref<32x30720x128xf32, #tpu.memory_space<hbm>> -> memref<1x128x128xf32, #tpu.memory_space<hbm>>
      %dma_start3A_55 = tpu.memref_squeeze %dma_start3A_54 : memref<1x128x128xf32, #tpu.memory_space<hbm>> -> memref<128x128xf32, #tpu.memory_space<hbm>>
      %dma_start3A_56 = arith.constant 30464 : i32
      %dma_start3A_57 = arith.constant 0 : i32
      %dma_start3A_58 = tpu.memref_slice %arg5[%add3A, %dma_start3A_56, %dma_start3A_57] : memref<32x30720x128xf32, #tpu.memory_space<hbm>> -> memref<1x128x128xf32, #tpu.memory_space<hbm>>
      %dma_start3A_59 = tpu.memref_squeeze %dma_start3A_58 : memref<1x128x128xf32, #tpu.memory_space<hbm>> -> memref<128x128xf32, #tpu.memory_space<hbm>>
      tpu.enqueue_dma source(%arg9 : memref<128x128xf32, #tpu.memory_space<vmem>>) target(%dma_start3A_59 : memref<128x128xf32, #tpu.memory_space<hbm>>) target_semaphore(%run_scoped3A : memref<!tpu.dma_semaphore, #tpu.memory_space<semaphore_mem>>)
      %dma_wait3A_60 = arith.constant 30464 : i32
      %dma_wait3A_61 = arith.constant 0 : i32
      %dma_wait3A_62 = tpu.memref_slice %arg5[%add3A, %dma_wait3A_60, %dma_wait3A_61] : memref<32x30720x128xf32, #tpu.memory_space<hbm>> -> memref<1x128x128xf32, #tpu.memory_space<hbm>>
      %dma_wait3A_63 = tpu.memref_squeeze %dma_wait3A_62 : memref<1x128x128xf32, #tpu.memory_space<hbm>> -> memref<128x128xf32, #tpu.memory_space<hbm>>
      %dma_wait3A_64 = arith.constant 30464 : i32
      %dma_wait3A_65 = arith.constant 0 : i32
      %dma_wait3A_66 = tpu.memref_slice %arg5[%add3A, %dma_wait3A_64, %dma_wait3A_65] : memref<32x30720x128xf32, #tpu.memory_space<hbm>> -> memref<1x128x128xf32, #tpu.memory_space<hbm>>
      %dma_wait3A_67 = tpu.memref_squeeze %dma_wait3A_66 : memref<1x128x128xf32, #tpu.memory_space<hbm>> -> memref<128x128xf32, #tpu.memory_space<hbm>>
      tpu.wait_dma2 semaphore(%run_scoped3A : memref<!tpu.dma_semaphore, #tpu.memory_space<semaphore_mem>>) src(%arg9 : memref<128x128xf32, #tpu.memory_space<vmem>>) dst(%dma_wait3A_67 : memref<128x128xf32, #tpu.memory_space<hbm>>)
      tpu.yield
    }) : () -> ()
    %dma_wait3A_45 = arith.constant 239 : i32
    %dma_wait3A_46 = arith.constant 0 : i32
    %dma_wait3A_47 = tpu.memref_slice %arg6[%dma_wait3A_45, %dma_wait3A_46] : memref<240x128xi32, #tpu.memory_space<vmem>> -> memref<1x128xi32, #tpu.memory_space<vmem>>
    %dma_wait3A_48 = tpu.memref_squeeze %dma_wait3A_47 : memref<1x128xi32, #tpu.memory_space<vmem>> -> memref<128xi32, #tpu.memory_space<vmem>>
    %dma_wait3A_49 = arith.constant 0 : i32
    %dma_wait3A_50 = arith.constant 0 : i32
    %dma_wait3A_51 = tpu.memref_slice %arg2[%dma_wait3A_49, %dma_wait3A_50] : memref<9000x128xf32, #tpu.memory_space<hbm>> -> memref<9000x128xf32, #tpu.memory_space<hbm>>
    tpu.wait_indirect_dma semaphore(%arg13 : memref<!tpu.dma_semaphore, #tpu.memory_space<semaphore_mem>>) src(%dma_wait3A_51 : memref<9000x128xf32, #tpu.memory_space<hbm>>) dst(%arg10 : memref<128x128xf32, #tpu.memory_space<vmem>>)
    "tpu.region"() ({
      %run_scoped3A = tpu.sem_alloc : memref<!tpu.dma_semaphore, #tpu.memory_space<semaphore_mem>>
      %dma_start3A_52 = arith.constant 30592 : i32
      %dma_start3A_53 = arith.constant 0 : i32
      %dma_start3A_54 = tpu.memref_slice %arg5[%add3A, %dma_start3A_52, %dma_start3A_53] : memref<32x30720x128xf32, #tpu.memory_space<hbm>> -> memref<1x128x128xf32, #tpu.memory_space<hbm>>
      %dma_start3A_55 = tpu.memref_squeeze %dma_start3A_54 : memref<1x128x128xf32, #tpu.memory_space<hbm>> -> memref<128x128xf32, #tpu.memory_space<hbm>>
      %dma_start3A_56 = arith.constant 30592 : i32
      %dma_start3A_57 = arith.constant 0 : i32
      %dma_start3A_58 = tpu.memref_slice %arg5[%add3A, %dma_start3A_56, %dma_start3A_57] : memref<32x30720x128xf32, #tpu.memory_space<hbm>> -> memref<1x128x128xf32, #tpu.memory_space<hbm>>
      %dma_start3A_59 = tpu.memref_squeeze %dma_start3A_58 : memref<1x128x128xf32, #tpu.memory_space<hbm>> -> memref<128x128xf32, #tpu.memory_space<hbm>>
      tpu.enqueue_dma source(%arg10 : memref<128x128xf32, #tpu.memory_space<vmem>>) target(%dma_start3A_59 : memref<128x128xf32, #tpu.memory_space<hbm>>) target_semaphore(%run_scoped3A : memref<!tpu.dma_semaphore, #tpu.memory_space<semaphore_mem>>)
      %dma_wait3A_60 = arith.constant 30592 : i32
      %dma_wait3A_61 = arith.constant 0 : i32
      %dma_wait3A_62 = tpu.memref_slice %arg5[%add3A, %dma_wait3A_60, %dma_wait3A_61] : memref<32x30720x128xf32, #tpu.memory_space<hbm>> -> memref<1x128x128xf32, #tpu.memory_space<hbm>>
      %dma_wait3A_63 = tpu.memref_squeeze %dma_wait3A_62 : memref<1x128x128xf32, #tpu.memory_space<hbm>> -> memref<128x128xf32, #tpu.memory_space<hbm>>
      %dma_wait3A_64 = arith.constant 30592 : i32
      %dma_wait3A_65 = arith.constant 0 : i32
      %dma_wait3A_66 = tpu.memref_slice %arg5[%add3A, %dma_wait3A_64, %dma_wait3A_65] : memref<32x30720x128xf32, #tpu.memory_space<hbm>> -> memref<1x128x128xf32, #tpu.memory_space<hbm>>
      %dma_wait3A_67 = tpu.memref_squeeze %dma_wait3A_66 : memref<1x128x128xf32, #tpu.memory_space<hbm>> -> memref<128x128xf32, #tpu.memory_space<hbm>>
      tpu.wait_dma2 semaphore(%run_scoped3A : memref<!tpu.dma_semaphore, #tpu.memory_space<semaphore_mem>>) src(%arg10 : memref<128x128xf32, #tpu.memory_space<vmem>>) dst(%dma_wait3A_67 : memref<128x128xf32, #tpu.memory_space<hbm>>)
      tpu.yield
    }) : () -> ()
    return
  }
}

</mosaic_0001>

<sc_bundles>
// kernel: kernel.3.cloned.1.call-start
scs
__scs_entry_jumppad:
0x0: {  	(pc) =	sbr.rel $0x88, $3  }
0x1: {  	(tag) =	ssettag $0x0;
	lr =	simm.s32 $0x1  }
0x2: {  	[smem:$0x3F9E] =	sst lr;
	_ =	strace $0xD0000000  }
0x3: {  	_ = 	snop  }
0x4: {  	_ = 	snop  }
0x5: {  	_ = 	snop  }
0x6: {  	_ = 	snop  }
0x7: {  	_ = 	snop  }
__scs_overlays_trampoline_lowered:
0x8: {  	[smem:$0x3FAD] =	sst s0  }
0x9: {  	[smem:$0x3FAE] =	sst s1  }
0xa: {  	[smem:$0x3FAF] =	sst s2  }
0xb: {  	[smem:$0x3FB0] =	sst s3  }
0xc: {  	[smem:$0x3FB1] =	sst s4  }
0xd: {  	[smem:$0x3FB2] =	sst s5  }
0xe: {  	[smem:$0x3FB3] =	sst s6  }
0xf: {  	[smem:$0x3FB4] =	sst s7  }
0x10: {  	[smem:$0x3FB5] =	sst s8  }
0x11: {  	[smem:$0x3FB6] =	sst s9;
	s0 =	simm.s32 @!p0 $0x0  }
0x12: {  	s1 =	sld [smem:$0x3F9C];
	s0 =	simm.s32 @p0 $0x1  }
0x13: {  	[smem:$0x3FB7] =	sst s0;
	s0 =	simm.s32 @!p1 $0x0  }
0x14: {  	s2 =	sld [smem:$0x3F9B];
	s0 =	simm.s32 @p1 $0x1  }
0x15: {  	[smem:$0x3FB8] =	sst s0;
	s0 =	simm.s32 @!p2 $0x0  }
0x16: {  	s3 =	sld [smem:$0x3FDB];
	s0 =	simm.s32 @p2 $0x1  }
0x17: {  	s4 =	simm.s32 $0x1BF5;
	[smem:$0x3FBA] =	sst s0  }
0x18: {  	s0 =	sld [smem:$0x3F9D];
	_ =	swait.ge [sflag:s4], $0x0  }
0x19: {  	s7 =	sld [smem:$0x3F9E]  }
0x1a: {  	s8 =	sadd.s32 $0xFFFFE003, lr  }
0x1b: {  	s9 =	sadd.s32 $0xFFFFFEF7, lr;
	s5 =	simm.s32 $0xFFFFFFFF;
	p2 =	slt.u32 s8, $0xFFFFF086  }
0x1c: {  	p1 =	slt.u32 s9, $0xF7A;
	s5 =	simm.s32 @!p2 $0x0  }
0x1d: {  	s5 =	simm.s32 @p1 $0x1;
	p0 =	seq.s32 s7, s2  }
0x1e: {  	s7 =	smul.u32 @!p0 $0xF7A, s2;
	p2 =	seq.s32 @!p0 s5, $0x0  }
0x1f: {  	s9 =	smul.u32 $0xF7A, s1;
	s8 =	simm.s32 @!p0 $0x1BF5;
	p2 =	por !p2, p0  }
0x20: {  	[sflag:s8] =	ssyncset.s32 @!p0 $0xFFFFF086;
	s6 =	sadd.s32 @!p0 s3, s7;
	s7 =	simm.s32 @!p0 $0x108  }
0x21: {  	s3 =	sadd.s32 s3, s9;
	s6 =	sadd.s32 @!p0 $0x88, s6;
	s7 =	simm.s32 @p2 $0x1082  }
0x22: {  	[simem:s7], [sflag:s8] =	dma.local @!p0 [hbm:s6], $0xF7A  }
0x23: {  	s9 =	sor.u32 $0xD0000000, s2;
	s6 =	simm.s32 $0x108;
	_ =	swait.ge @!p0 [sflag:s8], $0x0  }
0x24: {  	s3 =	sadd.s32 $0x88, s3;
	s6 =	simm.s32 @!p1 $0x1082;
	[sflag:s4] =	ssyncset.s32 $0xFFFFF086  }
0x25: {  	[simem:s6], [sflag:s4] =	dma.local [hbm:s3], $0xF7A  }
0x26: {  	[smem:$0x3F9E] =	sst s1;
	(tag) =	ssettag s2;
	_ =	strace s9  }
0x27: {  	s1 =	sld [smem:$0x3FAE]  }
0x28: {  	s2 =	sld [smem:$0x3FAF]  }
0x29: {  	s4 =	sld [smem:$0x3FB1]  }
0x2a: {  	p0 =	seq.s32 s5, $0x0;
	s5 =	sld [smem:$0x3FB2]  }
0x2b: {  	s6 =	sld [smem:$0x3FB3]  }
0x2c: {  	s7 =	sld [smem:$0x3FB4]  }
0x2d: {  	s3 =	simm.s32 $0x108;
	s8 =	sld [smem:$0x3FB5]  }
0x2e: {  	s3 =	simm.s32 @!p0 $0x1082;
	s9 =	sld [smem:$0x3FB6]  }
0x2f: {  	lr =	sadd.s32 s0, s3;
	s0 =	sld [smem:$0x3FAD]  }
0x30: {  	s3 =	sld [smem:$0x3FB0]  }
0x31: {  	[smem:$0x3FB9] =	sst s10  }
0x32: {  	s10 =	sld [smem:$0x3FB7];
	_ =	sdelay $0x3  }
0x33: {  	p0 =	seq.s32 s10, $0x1;
	s10 =	sld [smem:$0x3FB9];
	_ =	sdelay $0x3  }
0x34: {  	[smem:$0x3FB9] =	sst s10  }
0x35: {  	s10 =	sld [smem:$0x3FB8];
	_ =	sdelay $0x3  }
0x36: {  	p1 =	seq.s32 s10, $0x1;
	s10 =	sld [smem:$0x3FB9];
	_ =	sdelay $0x3  }
0x37: {  	[smem:$0x3FB9] =	sst s10  }
0x38: {  	s10 =	sld [smem:$0x3FBA]  }
0x39: {  	_ = 	snop;
	(pc) =	sbr.ind lr, $3  }
0x3a: {  	_ = 	snop  }
0x3b: {  	_ = 	snop  }
0x3c: {  	p2 =	seq.s32 s10, $0x1;
	s10 =	sld [smem:$0x3FB9]  }
0x3d: {  	_ =	shalt  }
0x3e: {  	_ =	shalt  }
0x3f: {  	_ =	shalt  }
0x40: {  	_ =	shalt  }
0x41: {  	_ =	shalt  }
0x42: {  	_ =	shalt  }
0x43: {  	_ =	shalt  }
0x44: {  	_ =	shalt  }
0x45: {  	_ =	shalt  }
0x46: {  	_ =	shalt  }
0x47: {  	_ =	shalt  }
0x48: {  	_ =	shalt  }
0x49: {  	_ =	shalt  }
0x4a: {  	_ =	shalt  }
0x4b: {  	_ =	shalt  }
0x4c: {  	_ =	shalt  }
0x4d: {  	_ =	shalt  }
0x4e: {  	_ =	shalt  }
0x4f: {  	_ =	shalt  }
0x50: {  	_ =	shalt  }
0x51: {  	_ =	shalt  }
0x52: {  	_ =	shalt  }
0x53: {  	_ =	shalt  }
0x54: {  	_ =	shalt  }
0x55: {  	_ =	shalt  }
0x56: {  	_ =	shalt  }
0x57: {  	_ =	shalt  }
0x58: {  	_ =	shalt  }
0x59: {  	_ =	shalt  }
0x5a: {  	_ =	shalt  }
0x5b: {  	_ =	shalt  }
0x5c: {  	_ =	shalt  }
0x5d: {  	_ =	shalt  }
0x5e: {  	_ =	shalt  }
0x5f: {  	_ =	shalt  }
0x60: {  	_ =	shalt  }
0x61: {  	_ =	shalt  }
0x62: {  	_ =	shalt  }
0x63: {  	_ =	shalt  }
0x64: {  	_ =	shalt  }
0x65: {  	_ =	shalt  }
0x66: {  	_ =	shalt  }
0x67: {  	_ =	shalt  }
0x68: {  	_ =	shalt  }
0x69: {  	_ =	shalt  }
0x6a: {  	_ =	shalt  }
0x6b: {  	_ =	shalt  }
0x6c: {  	_ =	shalt  }
0x6d: {  	_ =	shalt  }
0x6e: {  	_ =	shalt  }
0x6f: {  	_ =	shalt  }
0x70: {  	_ =	shalt  }
0x71: {  	_ =	shalt  }
0x72: {  	_ =	shalt  }
0x73: {  	_ =	shalt  }
0x74: {  	_ =	shalt  }
0x75: {  	_ =	shalt  }
0x76: {  	_ =	shalt  }
0x77: {  	_ =	shalt  }
0x78: {  	_ =	shalt  }
0x79: {  	_ =	shalt  }
0x7a: {  	_ =	shalt  }
0x7b: {  	_ =	shalt  }
0x7c: {  	_ =	shalt  }
0x7d: {  	_ =	shalt  }
0x7e: {  	_ =	shalt  }
0x7f: {  	_ =	shalt  }
0x80: {  	_ =	shalt  }
0x81: {  	_ =	shalt  }
0x82: {  	_ =	shalt  }
0x83: {  	_ =	shalt  }
0x84: {  	_ =	shalt  }
0x85: {  	_ =	shalt  }
0x86: {  	_ =	shalt  }
0x87: {  	_ =	shalt  }
.Lfunc_end0:
.L_simem_size_0:
called_computation.1_lowered:
.L_overlay_start_0:
0x88: {  	s2 =	sld [smem:$0x3FD9]  }
0x89: {  	s3 =	sld [smem:$0x3FFE];
	_ =	sdelay $0x1  }
0x8a: {  	s1 =	srdreg.scid  }
0x8b: {  	s0 =	sand.u32 $0x1, s1  }
0x8c: {  	s17 =	sshll.u32 s0, $0xA;
	s2 =	sadd.s32 s3, s2  }
0x8d: {  	s2 =	sadd.s32 s2, s17  }
0x8e: {  	[smem:$0x3FC5] =	sst s2  }
0x8f: {  	_ = 	snop  }
0x90: {  	s2 =	sld [smem:$0x3FD0];
	(tm) =	ssettm $0x1  }
0x91: {  	s18 =	sld [smem:$0x3FFB];
	_ =	sdelay $0x3  }
0x92: {  	_ =	strace s18  }
0x93: {  	s3 =	sld [smem:$0x3FFC];
	_ =	sdelay $0x3  }
0x94: {  	_ =	strace s3  }
0x95: {  	s3 =	sld [smem:$0x3FFD];
	_ =	sdelay $0x3  }
0x96: {  	_ =	strace s3  }
0x97: {  	_ =	strace $0x8FFFFFFF  }
0x98: {  	s19 =	sld [smem:$0x3FDB];
	_ =	sdelay $0x1  }
0x99: {  	s4 =	simm.s32 $_scs_section_size  }
0x9a: {  	s5 =	simm.s32 $_size__tile_overlayer_lowered;
	s6 =	simm.s32 $_tile_overlayer_lowered  }
0x9b: {  	s22 =	simm.s32 $0x1BFF;
	s21 =	sshll.u32 s6, $0x1;
	s3 =	sadd.s32 s4, s19  }
0x9c: {  	s7 =	simm.s32 $0x0;
	s20 =	sshll.u32 s5, $0x1;
	s5 =	sadd.s32 s21, s3  }
0x9d: {  	[timem:s7], [sflag:s22] =	dma.local [hbm:s5], s20  }
0x9e: {  	_ =	swait.ge [sflag:s22], s20  }
0x9f: {  	s4 =	ssub.s32 $0x0, s20;
	[sflag:s22] =	ssyncset.done $0x0  }
0xa0: {  	[sflag:s22] =	ssyncadd.s32 s4;
	_ =	sdelay $0x1  }
0xa1: {  	s23 =	simm.s32 $0x1B8B  }
0xa2: {  	_ =	swait.ge [sflag:s23], $0x1  }
0xa3: {  	[sflag:s23] =	ssyncset.done $0x0  }
0xa4: {  	s25 =	simm.s32 $0x1B8E;
	s24 =	sld [smem:$0x3FFE];
	[sflag:s23] =	ssyncadd.s32 $0xFFFFFFFF  }
0xa5: {  	s26 =	simm.s32 $execute0_lowered;
	[smem:$0x3FD2] =	sst s25  }
0xa6: {  	s5 =	sshll.u32 s26, $0x1;
	_ =	strace $0x80000046;
	[dreg:$0x1] =	wrdreg $0xFFFFFFFF  }
0xa7: {  	s28 =	simm.s32 $_size_execute0_lowered;
	s3 =	sadd.s32 s3, s5;
	[dreg:$0x0] =	wrdreg $0x0  }
0xa8: {  	s5 =	sshll.u32 s28, $0x1;
	[dreg:$0x2] =	wrdreg s3  }
0xa9: {  	[dreg:$0x3] =	wrdreg s5  }
0xaa: {  	[dreg:$0x4] =	wrdreg $0xC0  }
0xab: {  	_ =	task [dreg:s7], $0x5FFFF  }
0xac: {  	[dreg:$0x1] =	wrdreg $0xFFFFFFFF  }
0xad: {  	[dreg:$0x0] =	wrdreg $0x60  }
0xae: {  	[dreg:$0x2] =	wrdreg s2  }
0xaf: {  	[dreg:$0x3] =	wrdreg s24  }
0xb0: {  	[dreg:$0x4] =	wrdreg $0x9  }
0xb1: {  	_ =	task.clear_ibuf [dreg:s7], $0x5FFFF;
	_ =	strace $0x90000046  }
0xb2: {  	s29 =	simm.s32 $0x9;
	_ =	strace $0x80000048  }
0xb3: {  	_ =	swait.ge [sflag:s29], $0x1  }
0xb4: {  	[sflag:s29] =	ssyncadd.s32 $0xFFFFFFFF  }
0xb5: {  	_ =	strace $0x90000048  }
0xb6: {  	_ =	sfence  }
0xb7: {  	s30 =	sld [smem:$0x0];
	_ =	sdelay $0x2  }
0xb8: {  	s31 =	sshll.u32 s1, $0xD;
	s1 =	sshrl.u32 s1, $0x2  }
0xb9: {  	s3 =	sand.u32 $0x4000, s31;
	s1 =	sadd.s32 s1, s30  }
0xba: {  	s0 =	sor.u32 s3, s0;
	s1 =	sshll.u32 s1, $0x11  }
0xbb: {  	s0 =	sor.u32 s1, s0  }
0xbc: {  	s0 =	sadd.s32 $0x8F2B, s0  }
0xbd: {  	[sflag:s0] =	ssyncadd.remote.s32 $0x1  }
0xbe: {  	_ =	sfence.sel $0xFFFF  }
0xbf: {  	[dreg:$0x0] =	wrdreg $0xFFFFFFFF;
	(pc) =	sbr.abs _section_cstart, $3  }
0xc0: {  	[dreg:$0x1] =	wrdreg $0xFFFFFFFF  }
0xc1: {  	_ =	task.clear_ibuf [dreg:s7], $0x2FFFF;
	_ =	strace $0x9FFFFFFF  }
0xc2: {  	(tm) =	ssettm $0x7FFFFFFF  }
0xc3: {  	_ =	shalt  }
tec
execute0_lowered:
.L_overlay_start_1:
0x0: {  	(tag) =	ssettag $0x1  }
0x1: {  	s2 =	rddreg [dreg:$0x0]  }
0x2: {  	s1 =	srdreg.scid;
	s0 =	stileid.u32  }
0x3: {  	s5 =	rddreg [dreg:$0x1];
	s3 =	simm.s32 $0x0;
	s15 =	simm.s32 $0x80  }
0x4: {  	s16 =	simm.s32 $0xF000;
	s17 =	simm.s32 $0x13000;
	s18 =	simm.s32 $0x100  }
0x5: {  	s19 =	simm.s32 $0x17000;
	s20 =	simm.s32 $0x1;
	s21 =	simm.s32 $0x2  }
0x6: {  	s22 =	simm.s32 $0x3;
	s23 =	simm.s32 $0x0;
	s6 =	sand.u32 $0x1, s1  }
0x7: {  	s4 =	sshll.u32 s0, $0x1;
	s1 =	rddreg [dreg:$0x2];
	s9 =	smul.u32 $0x780000, s0  }
0x8: {  	[smem:$0x7FF] =	sst s3;
	s7 =	sor.u32 s6, s4;
	s11 =	smul.u32 $0x3C0000, s6  }
0x9: {  	s12 =	sadd.s32 $0x1FE00, s5;
	s28 =	ssub.s32 $0x2, s6;
	s4 =	smul.u32 $0xF00, s7  }
0xa: {  	_ =	strace $0x80000047;
	s7 =	smul.u32 $0x3C0000, s7;
	s10 =	sshrl.u32 s28, $0x1  }
0xb: {  	s10 =	ssub.s32 s28, s10;
	s13 =	sadd.s32 s11, s9;
	s8 =	sadd.s32 s4, s5  }
0xc: {  	s4 =	sadd.s32 $0xE00, s5;
	s7 =	sshrl.u32 s7, $0x3;
	s11 =	sor.u32 $0x8000, s13  }
0xd: {  	s14 =	sor.u32 $0x4000, s13;
	s9 =	smax.u32 s10, $0x1;
	s13 =	sshrl.u32 s13, $0x3  }
0xe: {  	s5 =	sadd.s32 $0x1E00, s8;
	s29 =	sadd.s32 s12, s7;
	s30 =	sshrl.u32 s11, $0x3  }
0xf: {  	s31 =	sshrl.u32 s14, $0x3;
	s14 =	simm.s32 $0x7800;
	s6 =	sadd.s32 $0x76800, s29  }
0x10: {  	s7 =	sadd.s32 $0x77000, s29;
	s8 =	sadd.s32 $0x77800, s29;
	s10 =	sadd.s32 s30, s12  }
0x11: {  	s11 =	sadd.s32 s31, s12;
	s12 =	sadd.s32 s13, s12;
	s13 =	simm.s32 $0x4  }
.LBB2_1:
0x12: {  	[tilespmem:s3], [sflag:$0x4] =	stream.linear.gather [hbm4b:s5+s3], $0x7800, $0x38;
	[tilespmem:$0x1B000] =	vst v63  }
0x13: {  	_ =	swait.ge [sflag:s13], $0x7800  }
0x14: {  	[sflag:s13] =	ssyncset.done $0x0  }
0x15: {  	[sflag:s13] =	ssyncadd.s32 $0xFFFF8800  }
0x16: {  	[tilespmem:s14], [sflag:$0x4] =	stream.linear.gather [hbm4b:s4+s3], $0x7800, $0x38;
	[tilespmem:$0x1B000] =	vst v63  }
0x17: {  	_ =	swait.ge [sflag:s13], $0x7800  }
0x18: {  	[sflag:s13] =	ssyncset.done $0x0  }
0x19: {  	s24 =	simm.s32 $0x0;
	[sflag:s13] =	ssyncadd.s32 $0xFFFF8800  }
0x1a: {  	v6 =	vld [tilespmem:s24+$0x7800]  }
0x1b: {  	v8 =	vld [tilespmem:s24+$0x7810]  }
0x1c: {  	v5 =	vld [tilespmem:s24+$0x7820]  }
0x1d: {  	v4 =	vld [tilespmem:s24+$0x7830]  }
0x1e: {  	v3 =	vld [tilespmem:s24+$0x7840]  }
0x1f: {  	v2 =	vld [tilespmem:s24+$0x7850]  }
0x20: {  	v1 =	vld [tilespmem:s24+$0x7860]  }
0x21: {  	v0 =	vld [tilespmem:s24+$0x7870]  }
0x22: {  	v11 =	vld [tilespmem:s24+$0x0]  }
0x23: {  	v12 =	vld [tilespmem:s24+$0x10]  }
0x24: {  	v10 =	vld [tilespmem:s24+$0x20]  }
0x25: {  	v9 =	vld [tilespmem:s24+$0x30]  }
0x26: {  	v7 =	vld [tilespmem:s24+$0x40]  }
0x27: {  	v11 =	vadd.s32 v11, v6;
	v6 =	vld [tilespmem:s24+$0x50]  }
0x28: {  	s25 =	simm.s32 $0x200;
	[tilespmem:s24+$0x0] =	vst v11;
	v11 =	vadd.s32 v12, v8;
	v8 =	vld [tilespmem:s24+$0x60]  }
.LBB2_2:
0x29: {  	s26 =	sshra.s32 s25, $0x2;
	p0 =	sne.s32 s25, $0x1DE00;
	[tilespmem:s24+$0x10] =	vst v11;
	v5 =	vadd.s32 v10, v5;
	v10 =	vld [tilespmem:s24+$0x70]  }
0x2a: {  	v11 =	vld [tilespmem:s26+$0x7800];
	[tilespmem:s24+$0x20] =	vst v5;
	v4 =	vadd.s32 v9, v4  }
0x2b: {  	v12 =	vld [tilespmem:s26+$0x7810];
	[tilespmem:s24+$0x30] =	vst v4;
	v3 =	vadd.s32 v7, v3  }
0x2c: {  	v5 =	vld [tilespmem:s26+$0x7820];
	[tilespmem:s24+$0x40] =	vst v3;
	v2 =	vadd.s32 v6, v2  }
0x2d: {  	v4 =	vld [tilespmem:s26+$0x7830];
	[tilespmem:s24+$0x50] =	vst v2;
	v1 =	vadd.s32 v8, v1  }
0x2e: {  	v3 =	vld [tilespmem:s26+$0x7840];
	[tilespmem:s24+$0x60] =	vst v1;
	v0 =	vadd.s32 v10, v0  }
0x2f: {  	v2 =	vld [tilespmem:s26+$0x7850];
	[tilespmem:s24+$0x70] =	vst v0;
	s24 =	smov.u32 s26  }
0x30: {  	v1 =	vld [tilespmem:s24+$0x7860]  }
0x31: {  	v0 =	vld [tilespmem:s24+$0x7870]  }
0x32: {  	v6 =	vld [tilespmem:s24+$0x0]  }
0x33: {  	v8 =	vld [tilespmem:s24+$0x10]  }
.Ltmp0:
0x34: {  	v10 =	vld [tilespmem:s24+$0x20];
	(pc) =	sbr.rel @p0 .LBB2_2-.Ltmp0, $4  }
0x35: {  	v9 =	vld [tilespmem:s24+$0x30]  }
0x36: {  	v7 =	vld [tilespmem:s24+$0x40]  }
0x37: {  	v11 =	vadd.s32 v6, v11;
	v6 =	vld [tilespmem:s24+$0x50]  }
0x38: {  	s25 =	sadd.s32 $0x200, s25;
	[tilespmem:s24+$0x0] =	vst v11;
	v11 =	vadd.s32 v8, v12;
	v8 =	vld [tilespmem:s24+$0x60]  }
0x39: {  	[tilespmem:s24+$0x10] =	vst v11;
	v5 =	vadd.s32 v10, v5;
	v63 =	vld [tilespmem:s24+$0x70]  }
0x3a: {  	[tilespmem:s24+$0x20] =	vst v5;
	v4 =	vadd.s32 v9, v4  }
0x3b: {  	[tilespmem:s24+$0x30] =	vst v4;
	v3 =	vadd.s32 v7, v3  }
0x3c: {  	[tilespmem:s24+$0x40] =	vst v3;
	v2 =	vadd.s32 v6, v2  }
0x3d: {  	[tilespmem:s24+$0x50] =	vst v2;
	v1 =	vadd.s32 v8, v1  }
0x3e: {  	[tilespmem:s24+$0x60] =	vst v1;
	v0 =	vadd.s32 v63, v0  }
0x3f: {  	s26 =	simm.s32 $0x0;
	[tilespmem:s24+$0x70] =	vst v0  }
0x40: {  	[tilespmem:s16], [sflag:$0x1] =	stream.indirect.gather [hbm4b:s2+s15], $0x80, s26, s15, $0xb8;
	[tilespmem:$0x1B000] =	vst v63  }
0x41: {  	_ = 	snop  }
0x42: {  	[tilespmem:s17], [sflag:$0x2] =	stream.indirect.gather [hbm4b:s2+s15], $0x80, s15, s15, $0xb8;
	[tilespmem:$0x1B000] =	vst v63  }
0x43: {  	_ = 	snop  }
0x44: {  	[tilespmem:s19], [sflag:$0x3] =	stream.indirect.gather [hbm4b:s2+s15], $0x80, s18, s15, $0xb8;
	[tilespmem:$0x1B000] =	vst v63  }
0x45: {  	_ =	swait.ge [sflag:s20], $0x4000  }
0x46: {  	[sflag:s20] =	ssyncset.done $0x0  }
0x47: {  	[sflag:s20] =	ssyncadd.s32 $0xFFFFC000  }
0x48: {  	[hbm4b:s12+s3] =	stream.linear.scatter [tilespmem:s16], [sflag:$0x4], $0x4000, $0x38;
	[tilespmem:$0x1B000] =	vst v63  }
0x49: {  	_ =	swait.ge [sflag:s13], $0x4000  }
0x4a: {  	[sflag:s13] =	ssyncset.done $0x0  }
0x4b: {  	s30 =	simm.s32 $0x180;
	[sflag:s13] =	ssyncadd.s32 $0xFFFFC000  }
0x4c: {  	[tilespmem:s16], [sflag:$0x1] =	stream.indirect.gather [hbm4b:s2+s15], $0x80, s30, s15, $0xb8;
	[tilespmem:$0x1B000] =	vst v63  }
0x4d: {  	_ =	swait.ge [sflag:s21], $0x4000  }
0x4e: {  	[sflag:s21] =	ssyncset.done $0x0  }
0x4f: {  	[sflag:s21] =	ssyncadd.s32 $0xFFFFC000  }
0x50: {  	[hbm4b:s11+s3] =	stream.linear.scatter [tilespmem:s17], [sflag:$0x4], $0x4000, $0x38;
	[tilespmem:$0x1B000] =	vst v63  }
0x51: {  	_ =	swait.ge [sflag:s13], $0x4000  }
0x52: {  	[sflag:s13] =	ssyncset.done $0x0  }
0x53: {  	s31 =	simm.s32 $0x200;
	[sflag:s13] =	ssyncadd.s32 $0xFFFFC000  }
0x54: {  	[tilespmem:s17], [sflag:$0x2] =	stream.indirect.gather [hbm4b:s2+s15], $0x80, s31, s15, $0xb8;
	[tilespmem:$0x1B000] =	vst v63  }
0x55: {  	_ =	swait.ge [sflag:s22], $0x4000  }
0x56: {  	[sflag:s22] =	ssyncset.done $0x0  }
0x57: {  	[sflag:s22] =	ssyncadd.s32 $0xFFFFC000  }
0x58: {  	[hbm4b:s10+s3] =	stream.linear.scatter [tilespmem:s19], [sflag:$0x4], $0x4000, $0x38;
	[tilespmem:$0x1B000] =	vst v63  }
0x59: {  	s25 =	sadd.s32 $0x1800, s11;
	_ =	swait.ge [sflag:s13], $0x4000  }
0x5a: {  	s29 =	simm.s32 $0x280;
	s28 =	sadd.s32 $0x1800, s10;
	[sflag:s13] =	ssyncset.done $0x0  }
0x5b: {  	s24 =	simm.s32 $0x600;
	s26 =	sadd.s32 $0x1800, s12;
	[sflag:s13] =	ssyncadd.s32 $0xFFFFC000  }
.LBB2_4:
0x5c: {  	[tilespmem:s19], [sflag:$0x3] =	stream.indirect.gather [hbm4b:s2+s15], $0x80, s29, s15, $0xb8;
	[tilespmem:$0x1B000] =	vst v63  }
0x5d: {  	s29 =	smov.u32 s24  }
0x5e: {  	p0 =	sne.s32 s24, $0x1D400;
	s24 =	sadd.s32 $0x600, s24;
	_ =	swait.ge [sflag:s20], $0x4000  }
0x5f: {  	[sflag:s20] =	ssyncset.done $0x0  }
0x60: {  	[sflag:s20] =	ssyncadd.s32 $0xFFFFC000  }
0x61: {  	[hbm4b:s26+s3] =	stream.linear.scatter [tilespmem:s16], [sflag:$0x4], $0x4000, $0x38;
	[tilespmem:$0x1B000] =	vst v63  }
0x62: {  	_ =	swait.ge [sflag:s13], $0x4000  }
0x63: {  	s29 =	sshra.s32 s29, $0x2;
	[sflag:s13] =	ssyncset.done $0x0  }
0x64: {  	s30 =	sadd.s32 $0x180, s29;
	[sflag:s13] =	ssyncadd.s32 $0xFFFFC000  }
0x65: {  	[tilespmem:s16], [sflag:$0x1] =	stream.indirect.gather [hbm4b:s2+s15], $0x80, s30, s15, $0xb8;
	[tilespmem:$0x1B000] =	vst v63  }
0x66: {  	_ =	swait.ge [sflag:s21], $0x4000  }
0x67: {  	[sflag:s21] =	ssyncset.done $0x0  }
0x68: {  	[sflag:s21] =	ssyncadd.s32 $0xFFFFC000  }
0x69: {  	[hbm4b:s25+s3] =	stream.linear.scatter [tilespmem:s17], [sflag:$0x4], $0x4000, $0x38;
	[tilespmem:$0x1B000] =	vst v63  }
0x6a: {  	_ =	swait.ge [sflag:s13], $0x4000  }
0x6b: {  	[sflag:s13] =	ssyncset.done $0x0  }
0x6c: {  	s30 =	sadd.s32 $0x200, s29;
	[sflag:s13] =	ssyncadd.s32 $0xFFFFC000  }
0x6d: {  	[tilespmem:s17], [sflag:$0x2] =	stream.indirect.gather [hbm4b:s2+s15], $0x80, s30, s15, $0xb8;
	[tilespmem:$0x1B000] =	vst v63  }
0x6e: {  	_ =	swait.ge [sflag:s22], $0x4000  }
0x6f: {  	[sflag:s22] =	ssyncset.done $0x0  }
.Ltmp1:
0x70: {  	[sflag:s22] =	ssyncadd.s32 $0xFFFFC000;
	(pc) =	sbr.rel @p0 .LBB2_4-.Ltmp1, $4  }
0x71: {  	[hbm4b:s28+s3] =	stream.linear.scatter [tilespmem:s19], [sflag:$0x4], $0x4000, $0x38;
	[tilespmem:$0x1B000] =	vst v63  }
0x72: {  	_ =	swait.ge [sflag:s13], $0x4000  }
0x73: {  	s26 =	sadd.s32 $0x1800, s26;
	s25 =	sadd.s32 $0x1800, s25;
	[sflag:s13] =	ssyncset.done $0x0  }
0x74: {  	s29 =	sadd.s32 $0x280, s29;
	s28 =	sadd.s32 $0x1800, s28;
	[sflag:s13] =	ssyncadd.s32 $0xFFFFC000  }
0x75: {  	[tilespmem:s19], [sflag:$0x3] =	stream.indirect.gather [hbm4b:s2+s15], $0x80, s29, s15, $0xb8;
	[tilespmem:$0x1B000] =	vst v63  }
0x76: {  	_ =	swait.ge [sflag:s20], $0x4000  }
0x77: {  	[sflag:s20] =	ssyncset.done $0x0  }
0x78: {  	[sflag:s20] =	ssyncadd.s32 $0xFFFFC000  }
0x79: {  	[hbm4b:s6+s3] =	stream.linear.scatter [tilespmem:s16], [sflag:$0x4], $0x4000, $0x38;
	[tilespmem:$0x1B000] =	vst v63  }
0x7a: {  	_ =	swait.ge [sflag:s13], $0x4000  }
0x7b: {  	[sflag:s13] =	ssyncset.done $0x0  }
0x7c: {  	[sflag:s13] =	ssyncadd.s32 $0xFFFFC000  }
0x7d: {  	_ =	swait.ge [sflag:s21], $0x4000  }
0x7e: {  	[sflag:s21] =	ssyncset.done $0x0  }
0x7f: {  	[sflag:s21] =	ssyncadd.s32 $0xFFFFC000  }
0x80: {  	[hbm4b:s7+s3] =	stream.linear.scatter [tilespmem:s17], [sflag:$0x4], $0x4000, $0x38;
	[tilespmem:$0x1B000] =	vst v63  }
0x81: {  	_ =	swait.ge [sflag:s13], $0x4000  }
0x82: {  	[sflag:s13] =	ssyncset.done $0x0  }
0x83: {  	[sflag:s13] =	ssyncadd.s32 $0xFFFFC000  }
0x84: {  	s23 =	sadd.s32 $0x1, s23;
	_ =	swait.ge [sflag:s22], $0x4000  }
0x85: {  	p0 =	sne.s32 s23, s9;
	[sflag:s22] =	ssyncset.done $0x0  }
.Ltmp2:
0x86: {  	[sflag:s22] =	ssyncadd.s32 $0xFFFFC000;
	(pc) =	sbr.rel @p0 .LBB2_1-.Ltmp2, $4  }
0x87: {  	[hbm4b:s8+s3] =	stream.linear.scatter [tilespmem:s19], [sflag:$0x4], $0x4000, $0x38;
	[tilespmem:$0x1B000] =	vst v63  }
0x88: {  	_ =	swait.ge [sflag:s13], $0x4000  }
0x89: {  	[sflag:s13] =	ssyncset.done $0x0  }
0x8a: {  	[sflag:s13] =	ssyncadd.s32 $0xFFFFC000  }
0x8b: {  	_ =	sfence.sel $0x180000  }
0x8c: {  	[bflag:$0x0] =	sbarrier.arrive $0xFFFF  }
0x8d: {  	p0 =	sne.s32 s0, $0x0;
	_ =	strace $0x90000047  }
0x8e: {  	s0 =	sadd.s32 @!p0 $0x100000, s1;
	[bflag:$0x2] =	sbarrier.arrive $0xFFFF  }
0x8f: {  	[sflag:s0] =	ssyncadd.tile.s32 @!p0 $0x1;
	_ =	shalt  }
.Lfunc_end2:
_tile_overlayer_lowered:
.L_overlay_start_2:
0x90: {  	(tag) =	ssettag $0x2  }
0x91: {  	s0 =	rddreg [dreg:$0x0];
	s2 =	stileid.u32  }
0x92: {  	s1 =	rddreg [dreg:$0x1];
	p0 =	sne.s32 s2, $0x0  }
0x93: {  	s3 =	rddreg [dreg:$0x2];
	[bflag:$0x3] =	sbarrier.arrive $0xFFFF;
	s2 =	simm.s32 @!p0 $0x1C04  }
0x94: {  	[timem:s3], [sflag:s2] =	dma.local @!p0 [hbm:s0], s1  }
0x95: {  	s0 =	simm.s32 @!p0 $0x4  }
0x96: {  	_ =	swait.ge @!p0 [sflag:s0], s1  }
0x97: {  	s1 =	ssub.s32 @!p0 $0x0, s1;
	[sflag:s0] =	ssyncset.done @!p0 $0x0  }
0x98: {  	[sflag:s0] =	ssyncadd.s32 @!p0 s1  }
0x99: {  	[bflag:$0x3] =	sbarrier.arrive $0xFFFF  }
0x9a: {  	_ =	shalt  }

// kernel: sparse-core-data-format-call.cloned.1.call-start
scs
called_computation_lowered:
.L_overlay_start_0:
0x0: {  	s2 =	sld [smem:$0x3FD9]  }
0x1: {  	s3 =	sld [smem:$0x3FFE];
	_ =	sdelay $0x1  }
0x2: {  	s1 =	srdreg.scid  }
0x3: {  	s0 =	sand.u32 $0x1, s1  }
0x4: {  	s18 =	sshll.u32 s0, $0xA;
	s2 =	sadd.s32 s3, s2  }
0x5: {  	s2 =	sadd.s32 s2, s18  }
0x6: {  	[smem:$0x3FC5] =	sst s2  }
0x7: {  	_ = 	snop  }
0x8: {  	s2 =	sld [smem:$0x3FD0];
	(tm) =	ssettm $0x1  }
0x9: {  	s19 =	sld [smem:$0x3FFB];
	_ =	sdelay $0x3  }
0xa: {  	_ =	strace s19  }
0xb: {  	s3 =	sld [smem:$0x3FFC];
	_ =	sdelay $0x3  }
0xc: {  	_ =	strace s3  }
0xd: {  	s3 =	sld [smem:$0x3FFD];
	_ =	sdelay $0x3  }
0xe: {  	_ =	strace s3  }
0xf: {  	_ =	strace $0x8FFFFFFF  }
0x10: {  	s20 =	sld [smem:$0x3FDB];
	_ =	sdelay $0x1  }
0x11: {  	s4 =	simm.s32 $_scs_section_size  }
0x12: {  	s5 =	simm.s32 $_size__tile_overlayer_lowered;
	s6 =	simm.s32 $_tile_overlayer_lowered  }
0x13: {  	s23 =	simm.s32 $0x1BFF;
	s22 =	sshll.u32 s6, $0x1;
	s3 =	sadd.s32 s4, s20  }
0x14: {  	s7 =	simm.s32 $0x0;
	s21 =	sshll.u32 s5, $0x1;
	s5 =	sadd.s32 s22, s3  }
0x15: {  	[timem:s7], [sflag:s23] =	dma.local [hbm:s5], s21  }
0x16: {  	_ =	swait.ge [sflag:s23], s21  }
0x17: {  	s4 =	ssub.s32 $0x0, s21;
	[sflag:s23] =	ssyncset.done $0x0  }
0x18: {  	[sflag:s23] =	ssyncadd.s32 s4;
	_ =	sdelay $0x1  }
0x19: {  	s24 =	simm.s32 $0x1B8B  }
0x1a: {  	_ =	swait.ge [sflag:s24], $0x1  }
0x1b: {  	[sflag:s24] =	ssyncset.done $0x0  }
0x1c: {  	s26 =	simm.s32 $0x1B8E;
	s25 =	sld [smem:$0x3FFE];
	[sflag:s24] =	ssyncadd.s32 $0xFFFFFFFF  }
0x1d: {  	s27 =	simm.s32 $execute0_lowered;
	[smem:$0x3FD2] =	sst s26  }
0x1e: {  	s5 =	sshll.u32 s27, $0x1;
	_ =	strace $0x80000049;
	[dreg:$0x1] =	wrdreg $0xFFFFFFFF  }
0x1f: {  	s28 =	simm.s32 $_size_execute0_lowered;
	s3 =	sadd.s32 s3, s5;
	[dreg:$0x0] =	wrdreg $0x0  }
0x20: {  	s5 =	sshll.u32 s28, $0x1;
	[dreg:$0x2] =	wrdreg s3  }
0x21: {  	[dreg:$0x3] =	wrdreg s5  }
0x22: {  	[dreg:$0x4] =	wrdreg $0xC0  }
0x23: {  	_ =	task [dreg:s7], $0x5FFFF  }
0x24: {  	[dreg:$0x1] =	wrdreg $0xFFFFFFFF  }
0x25: {  	[dreg:$0x0] =	wrdreg $0x60  }
0x26: {  	[dreg:$0x2] =	wrdreg s25  }
0x27: {  	[dreg:$0x3] =	wrdreg s2  }
0x28: {  	[dreg:$0x4] =	wrdreg $0x9  }
0x29: {  	_ =	task.clear_ibuf [dreg:s7], $0x5FFFF;
	_ =	strace $0x90000049  }
0x2a: {  	s29 =	simm.s32 $0x9;
	_ =	strace $0x8000004B  }
0x2b: {  	_ =	swait.ge [sflag:s29], $0x1  }
0x2c: {  	[sflag:s29] =	ssyncadd.s32 $0xFFFFFFFF  }
0x2d: {  	_ =	strace $0x9000004B  }
0x2e: {  	_ =	sfence  }
0x2f: {  	s30 =	sld [smem:$0x0];
	_ =	sdelay $0x2  }
0x30: {  	s31 =	sshll.u32 s1, $0xD;
	s1 =	sshrl.u32 s1, $0x2  }
0x31: {  	s3 =	sand.u32 $0x4000, s31;
	s1 =	sadd.s32 s1, s30  }
0x32: {  	s0 =	sor.u32 s3, s0;
	s1 =	sshll.u32 s1, $0x11  }
0x33: {  	s0 =	sor.u32 s1, s0  }
0x34: {  	s0 =	sadd.s32 $0x8F2B, s0  }
0x35: {  	[sflag:s0] =	ssyncadd.remote.s32 $0x1  }
0x36: {  	_ =	sfence.sel $0xFFFF  }
0x37: {  	[dreg:$0x0] =	wrdreg $0xFFFFFFFF;
	(pc) =	sbr.abs _section_cstart, $3  }
0x38: {  	[dreg:$0x1] =	wrdreg $0xFFFFFFFF  }
0x39: {  	_ =	task.clear_ibuf [dreg:s7], $0x2FFFF;
	_ =	strace $0x9FFFFFFF  }
0x3a: {  	(tm) =	ssettm $0x7FFFFFFF  }
0x3b: {  	_ =	shalt  }
tec
execute0_lowered:
.L_overlay_start_1:
0x0: {  	(tag) =	ssettag $0x1  }
0x1: {  	s0 =	stileid.u32  }
0x2: {  	s2 =	srdreg.scid;
	s1 =	sshll.u32 s0, $0x6  }
0x3: {  	s7 =	rddreg [dreg:$0x0];
	s8 =	simm.s32 $0x2;
	s3 =	ssub.s32 $0x400, s1  }
0x4: {  	s15 =	simm.s32 $0x0;
	s2 =	sand.u32 $0x1, s2;
	s4 =	sand.u32 $0x3C0, s3  }
0x5: {  	s5 =	ssub.s32 $0x1E, s2;
	p0 =	sne.s32 s4, $0x0;
	s4 =	simm.s32 $0x1  }
0x6: {  	s3 =	sshrl.u32 s3, $0xA;
	s6 =	sshrl.u32 s5, $0x1;
	s4 =	simm.s32 @!p0 $0x0  }
0x7: {  	s9 =	simm.s32 $0x2000;
	s5 =	ssub.s32 s5, s6;
	s3 =	sadd.s32 s4, s3  }
0x8: {  	s10 =	simm.s32 $0x20000;
	s16 =	simm.s32 $0x0;
	s6 =	smul.u32 s3, s5  }
.Ltmp0:
0x9: {  	s17 =	simm.s32 $0x0;
	s4 =	rddreg [dreg:$0x1];
	(pc) =	sbr.rel .LBB1_1-.Ltmp0, $4  }
0xa: {  	s11 =	simm.s32 $0x0;
	s14 =	simm.s32 $0x0;
	s3 =	rddreg [dreg:$0x2]  }
0xb: {  	_ =	strace $0x8000004A;
	s5 =	simm.s32 $0x1;
	s6 =	smul.u32 $0xF, s6  }
0xc: {  	s7 =	sadd.s32 $0x1FE00, s7;
	s12 =	smov.u32 s2;
	[sflag:s5] =	ssyncpa.u1 $0x0  }
0xd: {  	s13 =	smov.u32 s1;
	[sflag:s8] =	ssyncpa.u1 $0x0;
	s8 =	sadd.s32 $0x1, s6  }
.LBB1_7:
0xe: {  	s18 =	sadd.s32 $0x2, s11  }
0xf: {  	s15 =	sadd.s32 $0x2, s12;
	s19 =	smov.u32 s12;
	p1 =	sgt.s32 s18, $0x1D  }
0x10: {  	s19 =	smov.u32 @p1 s15  }
0x11: {  	s21 =	smov.u32 s13;
	s15 =	sadd.s32 $0x400, s13;
	p2 =	sgt.s32 s19, $0x1D  }
0x12: {  	s21 =	smov.u32 @p2 s15  }
0x13: {  	s18 =	simm.s32 @p1 $0x0;
	p1 =	sgt.s32 s21, $0x3FF  }
0x14: {  	p0 =	slt.u32 s14, $0x2;
	s21 =	smov.u32 @p1 s1;
	p1 =	sne.s32 s14, s8  }
.Ltmp1:
0x15: {  	s20 =	simm.s32 @!p0 $0x2;
	(pc) =	sbr.rel @!p1 .LBB1_8-.Ltmp1, $4  }
0x16: {  	s16 =	smov.u32 s12;
	_ =	swait.ge @!p0 [sflag:s20], $0x4000  }
0x17: {  	s17 =	smov.u32 s13;
	[sflag:s20] =	ssyncset.done @!p0 $0x0;
	s19 =	smov.u32 @p2 s2  }
0x18: {  	s15 =	smov.u32 s11;
	[sflag:s20] =	ssyncadd.s32 @!p0 $0xFFFFC000;
	s11 =	smov.u32 s18  }
0x19: {  	s12 =	smov.u32 s19;
	s14 =	sadd.s32 $0x1, s14;
	s13 =	smov.u32 s21  }
.LBB1_1:
0x1a: {  	p0 =	sge.u32 s14, s6  }
0x1b: {  	s19 =	smul.u32 @!p0 $0x3C00, s13  }
0x1c: {  	s31 =	sadd.s32 $0xFFFFFFFF, s14;
	s18 =	sxor.u32 @!p0 $0xFFFFFFFF, s14;
	s20 =	sshll.u32 @!p0 s12, $0x9  }
0x1d: {  	s21 =	sshll.u32 @!p0 s11, $0x4;
	s18 =	sshll.u32 @!p0 s18, $0xE;
	s19 =	sadd.s32 @!p0 s7, s19  }
0x1e: {  	s21 =	sand.u32 @!p0 $0x1F0, s21;
	s18 =	sand.u32 @!p0 $0x4000, s18;
	s19 =	sadd.s32 @!p0 s20, s19  }
0x1f: {  	s20 =	simm.s32 @!p0 $0x100;
	s19 =	sadd.s32 @!p0 s21, s19;
	s21 =	simm.s32 @!p0 $0x1E000  }
0x20: {  	[tilespmem:s18], [sflag:$0x1] =	stream.strided.gather @!p0 [hbm4b:s19+s20], $0x4000, s21, s20, $0x38;
	[tilespmem:$0x10000] =	vst v63  }
0x21: {  	p0 =	sge.u32 s31, s6  }
.Ltmp2:
0x22: {  	_ = 	snop;
	(pc) =	sbr.rel @p0 .LBB1_7-.Ltmp2, $1  }
0x23: {  	_ =	sdelay $0x3  }
0x24: {  	_ =	swait.ge [sflag:s5], $0x4000;
	s18 =	sshll.u32 s14, $0xE  }
0x25: {  	[sflag:s5] =	ssyncset.done $0x0;
	s19 =	sand.u32 $0x4000, s18  }
0x26: {  	s20 =	simm.s32 $0x0;
	[sflag:s5] =	ssyncadd.s32 $0xFFFFC000;
	s18 =	sor.u32 $0x8000, s19  }
.LBB1_3:
0x27: {  	s21 =	sshll.u32 s20, $0x8  }
0x28: {  	s21 =	sand.u32 $0x3FFFFF00, s21  }
0x29: {  	s22 =	sshll.u32 s20, $0x7;
	s21 =	sadd.s32 s21, s19  }
0x2a: {  	s22 =	sand.u32 $0x3FFFFF80, s22;
	v0 =	vmov s21  }
0x2b: {  	s22 =	sadd.s32 s22, s18  }
0x2c: {  	p0 =	por $0x1, $0x1;
	v1 =	vmov s22;
	s21 =	simm.s32 $0x0  }
.LBB1_4:
0x2d: {  	s22 =	sshll.u32 s21, $0x7  }
0x2e: {  	s22 =	sand.u32 $0x3FFFFF80, s22  }
0x2f: {  	v2 =	vld.idx.msk [tilespmem:v0+s22+$0x0 ss:$0x1], $0xffff  }
0x30: {  	v3 =	vld.idx.msk [tilespmem:v0+s22+$0x10 ss:$0x1], $0xffff  }
0x31: {  	v4 =	vld.idx.msk [tilespmem:v0+s22+$0x20 ss:$0x1], $0xffff  }
0x32: {  	s31 =	sshll.u32 s21, $0xD;
	v5 =	vld.idx.msk [tilespmem:v0+s22+$0x30 ss:$0x1], $0xffff  }
0x33: {  	s21 =	sand.u32 $0x3FFFE000, s31;
	v6 =	vld.idx.msk [tilespmem:v0+s22+$0x40 ss:$0x1], $0xffff  }
0x34: {  	v63 =	vld.idx.msk [tilespmem:v0+s22+$0x70 ss:$0x1], $0xffff;
	[tilespmem:v1+s21+$0x0 ss:$0x1] =	vst.idx.msk $0xffff, v2  }
0x35: {  	v2 =	vld.idx.msk [tilespmem:v0+s22+$0x50 ss:$0x1], $0xffff;
	[tilespmem:v1+s21+$0x10 ss:$0x1] =	vst.idx.msk $0xffff, v3  }
0x36: {  	p1 =	por p0, p0;
	v3 =	vld.idx.msk [tilespmem:v0+s22+$0x60 ss:$0x1], $0xffff;
	[tilespmem:v1+s21+$0x20 ss:$0x1] =	vst.idx.msk $0xffff, v4  }
.Ltmp3:
0x37: {  	[tilespmem:v1+s21+$0x30 ss:$0x1] =	vst.idx.msk $0xffff, v5;
	(pc) =	sbr.rel @p1 .LBB1_4-.Ltmp3, $4  }
0x38: {  	[tilespmem:v1+s21+$0x40 ss:$0x1] =	vst.idx.msk $0xffff, v6  }
0x39: {  	[tilespmem:v1+s21+$0x70 ss:$0x1] =	vst.idx.msk $0xffff, v63  }
0x3a: {  	[tilespmem:v1+s21+$0x50 ss:$0x1] =	vst.idx.msk $0xffff, v2  }
0x3b: {  	p0 =	por $0x0, $0x0;
	[tilespmem:v1+s21+$0x60 ss:$0x1] =	vst.idx.msk $0xffff, v3;
	s21 =	simm.s32 $0x1  }
0x3c: {  	s20 =	sadd.s32 $0x1, s20  }
0x3d: {  	p0 =	sne.s32 s20, $0x40  }
.Ltmp4:
0x3e: {  	_ = 	snop;
	(pc) =	sbr.rel @p0 .LBB1_3-.Ltmp4, $1  }
0x3f: {  	_ =	sdelay $0x3  }
0x40: {  	s16 =	smul.u32 $0x78000, s16  }
.Ltmp5:
0x41: {  	s17 =	sshll.u32 s17, $0x4;
	(pc) =	sbr.rel .LBB1_7-.Ltmp5, $4  }
0x42: {  	s17 =	sand.u32 $0x3FF0, s17;
	s16 =	sadd.s32 s4, s16  }
0x43: {  	s15 =	sshll.u32 s15, $0xE;
	s16 =	sadd.s32 s17, s16  }
0x44: {  	s15 =	sadd.s32 s15, s16  }
0x45: {  	[hbm4b:s15+s9] =	stream.strided.scatter [tilespmem:s18], [sflag:$0x2], $0x4000, s10, s9, $0x38;
	[tilespmem:$0x10000] =	vst v63  }
.LBB1_8:
0x46: {  	_ =	sfence.sel $0x180000  }
0x47: {  	s1 =	simm.s32 $0x1;
	[bflag:$0x0] =	sbarrier.arrive $0xFFFF  }
0x48: {  	s31 =	simm.s32 $0x2;
	[sflag:s1] =	ssyncpa.u1 $0x1  }
0x49: {  	[sflag:s31] =	ssyncpa.u1 $0x1  }
0x4a: {  	p0 =	sne.s32 s0, $0x0;
	_ =	strace $0x9000004A  }
0x4b: {  	s0 =	sadd.s32 @!p0 $0x100000, s3;
	[bflag:$0x2] =	sbarrier.arrive $0xFFFF  }
0x4c: {  	[sflag:s0] =	ssyncadd.tile.s32 @!p0 $0x1;
	_ =	shalt  }
.Lfunc_end1:
_tile_overlayer_lowered:
.L_overlay_start_2:
0x4d: {  	(tag) =	ssettag $0x2  }
0x4e: {  	s0 =	rddreg [dreg:$0x0];
	s2 =	stileid.u32  }
0x4f: {  	s1 =	rddreg [dreg:$0x1];
	p0 =	sne.s32 s2, $0x0  }
0x50: {  	s3 =	rddreg [dreg:$0x2];
	[bflag:$0x3] =	sbarrier.arrive $0xFFFF;
	s2 =	simm.s32 @!p0 $0x1C01  }
0x51: {  	[timem:s3], [sflag:s2] =	dma.local @!p0 [hbm:s0], s1  }
0x52: {  	s0 =	simm.s32 @!p0 $0x1  }
0x53: {  	_ =	swait.ge @!p0 [sflag:s0], s1  }
0x54: {  	s1 =	ssub.s32 @!p0 $0x0, s1;
	[sflag:s0] =	ssyncset.done @!p0 $0x0  }
0x55: {  	[sflag:s0] =	ssyncadd.s32 @!p0 s1  }
0x56: {  	[bflag:$0x3] =	sbarrier.arrive $0xFFFF  }
0x57: {  	_ =	shalt  }

</sc_bundles>
